<compile_context>
chip_gen: v7x
topology: tpu7x:2x2x1
jax: 0.10.2.dev20260603
libtpu: 0.0.44.dev20260713+nightly
codegen_flags: <defaults>
</compile_context>

<pallas_src>
import functools

import numpy as np
import jax
import jax.numpy as jnp
from jax import lax
from jax.experimental import pallas as pl
from jax.experimental.pallas import tpu as pltpu
from jax.experimental.pallas import tpu_sc as plsc

T = 8
NUM_TOKENS = 2048
EMBED_DIM = 128
NUM_NODES = 50000
COMP_LEN = 8
COMP_DIM = 32
NN = 8192
MAX_LEN = 1024
POOL = EMBED_DIM // COMP_DIM
P_TOT = T * NUM_TOKENS

CH = 128
N_CH = NN // CH
H_CH = MAX_LEN // CH

NQ = 4
CPC = COMP_LEN // 2
NROW = 51200
ZCH = NROW // NQ
ACH = P_TOT // NQ
JCH = N_CH // NQ
HCH_T = H_CH // NQ

_ZEROS = np.zeros((ZCH,), np.float32)
_ONES = np.ones((CH,), np.float32)
_PMAT = np.repeat(np.eye(COMP_DIM, dtype=np.float32), POOL, axis=0) / POOL


def _sc_weights(si, nid, pos):
    mesh = plsc.VectorSubcoreMesh(core_axis_name="c", subcore_axis_name="s")

    @functools.partial(
        pl.kernel,
        out_type=jax.ShapeDtypeStruct((COMP_LEN, P_TOT), jnp.float32),
        mesh=mesh,
        scratch_types=[
            pltpu.VMEM_SHARED((CPC * NROW,), jnp.float32),
            pltpu.VMEM_SHARED((CPC * P_TOT,), jnp.float32),
            pltpu.VMEM((HCH_T, CH), jnp.int32),
            pltpu.VMEM((JCH * CH,), jnp.int32),
            pltpu.VMEM((JCH, CH), jnp.int32),
            pltpu.VMEM((JCH, CH), jnp.float32),
            pltpu.VMEM((CH,), jnp.float32),
            pltpu.VMEM((ZCH,), jnp.float32),
            pltpu.VMEM((ACH,), jnp.float32),
            pltpu.SemaphoreType.DMA,
            pltpu.SemaphoreType.DMA,
        ],
    )
    def k(si_hbm, nid_hbm, pos_hbm, zeros_hbm, ones_hbm, w_hbm,
          counts_s, acc_s, sif_v, nid_v, posf_v, wt_v, ones_v,
          zeros_v, stage_v, sem, sem2):
        cid = lax.axis_index("c")
        sid = lax.axis_index("s")
        lc = sid % NQ
        comp = cid + 2 * lc
        q = sid // NQ

        cnt_base = pl.multiple_of(lc * NROW + q * ZCH, 8)
        acc_base = pl.multiple_of(lc * P_TOT + q * ACH, 8)
        my_counts = counts_s.at[pl.ds(pl.multiple_of(lc * NROW, 8), NROW)]
        my_acc = acc_s.at[pl.ds(pl.multiple_of(lc * P_TOT, 8), P_TOT)]

        pend = [
            pltpu.async_copy(zeros_hbm, zeros_v, sem),
            pltpu.async_copy(ones_hbm, ones_v, sem),
            pltpu.async_copy(
                nid_hbm.at[pl.ds(q * (JCH * CH), JCH * CH)], nid_v, sem),
            pltpu.async_copy(si_hbm.at[comp].at[pl.ds(q * HCH_T, HCH_T)],
                             sif_v, sem),
            pltpu.async_copy(pos_hbm.at[pl.ds(q * JCH, JCH)], posf_v, sem),
        ]
        for d in pend:
            d.wait()
        pltpu.sync_copy(zeros_v, counts_s.at[pl.ds(cnt_base, ZCH)])
        plsc.subcore_barrier()

        pend = [
            pltpu.async_copy(ones_v, my_counts.at[sif_v.at[i]], sem, add=True)
            for i in range(HCH_T)
        ]
        pend.append(
            pltpu.async_copy(zeros_v.at[pl.ds(0, ACH)],
                             acc_s.at[pl.ds(acc_base, ACH)], sem))
        for d in pend:
            d.wait()
        plsc.subcore_barrier()

        HW = JCH // 2
        g1w = [
            pltpu.async_copy(my_counts.at[nid_v.at[pl.ds(i * CH, CH)]],
                             wt_v.at[i], sem)
            for i in range(HW)
        ]
        g2w = [
            pltpu.async_copy(my_counts.at[nid_v.at[pl.ds(i * CH, CH)]],
                             wt_v.at[i], sem2)
            for i in range(HW, JCH)
        ]
        for d in g1w:
            d.wait()
        s1w = [
            pltpu.async_copy(wt_v.at[i], my_acc.at[posf_v.at[i]], sem, add=True)
            for i in range(HW)
        ]
        for d in g2w:
            d.wait()
        s2w = [
            pltpu.async_copy(wt_v.at[i], my_acc.at[posf_v.at[i]], sem2,
                             add=True)
            for i in range(HW, JCH)
        ]
        for d in s1w:
            d.wait()
        for d in s2w:
            d.wait()
        plsc.subcore_barrier()

        pltpu.sync_copy(acc_s.at[pl.ds(acc_base, ACH)], stage_v)
        pltpu.sync_copy(stage_v, w_hbm.at[comp].at[pl.ds(q * ACH, ACH)])

    return k(si.reshape(COMP_LEN, H_CH, CH), nid, pos.reshape(N_CH, CH),
             jnp.asarray(_ZEROS), jnp.asarray(_ONES))


def _tc_finish(x, w, g1, b1, pmat, g2, b2, interpret=False):

    TB = 2

    def body(x_ref, w_ref, g1_ref, b1_ref, pm_ref, g2_ref, b2_ref, o_ref):
        for k in range(TB):
            xt = x_ref[k]
            mu = jnp.mean(xt, axis=-1, keepdims=True)
            var = jnp.mean(jnp.square(xt - mu), axis=-1, keepdims=True)
            xn = (xt - mu) * lax.rsqrt(var + 1e-5) * g1_ref[0] + b1_ref[0]
            acc = jnp.dot(w_ref[:, k * NUM_TOKENS:(k + 1) * NUM_TOKENS], xn,
                          preferred_element_type=jnp.float32)
            comp = jnp.dot(acc, pm_ref[...],
                           preferred_element_type=jnp.float32) * (1.0 / MAX_LEN)
            m2 = jnp.mean(comp)
            v2 = jnp.mean(jnp.square(comp - m2))
            o_ref[k] = ((comp - m2) * lax.rsqrt(v2 + 1e-5) * g2_ref[...]
                        + b2_ref[...])

    return pl.pallas_call(
        body,
        grid=(T // TB,),
        in_specs=[
            pl.BlockSpec((TB, NUM_TOKENS, EMBED_DIM), lambda t: (t, 0, 0)),
            pl.BlockSpec((COMP_LEN, TB * NUM_TOKENS), lambda t: (0, t)),
            pl.BlockSpec((1, EMBED_DIM), lambda t: (0, 0)),
            pl.BlockSpec((1, EMBED_DIM), lambda t: (0, 0)),
            pl.BlockSpec((EMBED_DIM, COMP_DIM), lambda t: (0, 0)),
            pl.BlockSpec((COMP_LEN, COMP_DIM), lambda t: (0, 0)),
            pl.BlockSpec((COMP_LEN, COMP_DIM), lambda t: (0, 0)),
        ],
        out_specs=pl.BlockSpec((TB, COMP_LEN, COMP_DIM), lambda t: (t, 0, 0)),
        out_shape=jax.ShapeDtypeStruct((T, COMP_LEN, COMP_DIM), jnp.float32),
        interpret=interpret,
    )(x, w, g1, b1, pmat, g2, b2)


def kernel(x, ln1_scale, ln1_bias, ln2_scale, ln2_bias,
           node_token_pos, node_global_idx, stacked_indices):
    si = stacked_indices.astype(jnp.int32)
    nid = node_global_idx.astype(jnp.int32)
    pos = node_token_pos.astype(jnp.int32)

    w = _sc_weights(si, nid, pos)

    out = _tc_finish(x, w,
                     ln1_scale.reshape(1, EMBED_DIM),
                     ln1_bias.reshape(1, EMBED_DIM),
                     jnp.asarray(_PMAT),
                     ln2_scale.reshape(COMP_LEN, COMP_DIM),
                     ln2_bias.reshape(COMP_LEN, COMP_DIM))
    return out.reshape(T, 1, COMP_LEN * COMP_DIM)

# --- scband reference (transcript-rebuilt; emitter-appended) ---
"""Pipeline reference for scband-disentangler-52132313038898 (READ-ONLY COPY).

The authoritative reference and input builder live on the scoring server;
editing this copy changes nothing except your own understanding.
"""

import jax, jax.numpy as jnp
import numpy as np

T, NUM_TOKENS, EMBED_DIM = 8, 2048, 128
NUM_NODES = 50000
COMP_LEN, COMP_DIM = 8, 32
NN = 8192
MAX_LEN = 1024


def layer_norm(x, scale, bias, eps=1e-5):
    mu = jnp.mean(x, axis=-1, keepdims=True)
    var = jnp.var(x, axis=-1, keepdims=True)
    return (x - mu) / jnp.sqrt(var + eps) * scale + bias


def setup_inputs(seed: int = 0) -> dict:
    key = jax.random.key(seed)
    ks = jax.random.split(key, 4)
    x = jax.random.normal(ks[0], (T, NUM_TOKENS, EMBED_DIM), dtype=jnp.float32)
    node_token_pos = jax.random.randint(ks[1], (NN,), 0, T * NUM_TOKENS, dtype=jnp.int64 if jax.config.jax_enable_x64 else jnp.int32)
    node_global_idx = jax.random.randint(ks[2], (NN,), 0, NUM_NODES, dtype=jnp.int64 if jax.config.jax_enable_x64 else jnp.int32)
    stacked_indices = jax.random.randint(ks[3], (COMP_LEN, MAX_LEN), 0, NUM_NODES, dtype=jnp.int64 if jax.config.jax_enable_x64 else jnp.int32)
    ln1_scale = jnp.ones((EMBED_DIM,), dtype=jnp.float32)
    ln1_bias = jnp.zeros((EMBED_DIM,), dtype=jnp.float32)
    ln2_scale = jnp.ones((COMP_LEN * COMP_DIM,), dtype=jnp.float32)
    ln2_bias = jnp.zeros((COMP_LEN * COMP_DIM,), dtype=jnp.float32)
    return {"x": x, "ln1_scale": ln1_scale, "ln1_bias": ln1_bias,
            "ln2_scale": ln2_scale, "ln2_bias": ln2_bias,
            "node_token_pos": node_token_pos, "node_global_idx": node_global_idx,
            "stacked_indices": stacked_indices}


def reference(x, ln1_scale, ln1_bias, ln2_scale, ln2_bias, node_token_pos, node_global_idx, stacked_indices):
    # encode_layer_norm
    xn = layer_norm(x, ln1_scale, ln1_bias)
    # gather node tokens (x[padded_node_mask, :])
    flat = xn.reshape(T * NUM_TOKENS, EMBED_DIM)
    nodes = jnp.take(flat, node_token_pos, axis=0)
    t_idx = node_token_pos // NUM_TOKENS
    # scga._to_entire: scatter node embeddings into the entire-node memory
    time_entire = jnp.zeros((T, NUM_NODES, EMBED_DIM), dtype=jnp.float32)
    time_entire = time_entire.at[t_idx, node_global_idx].add(nodes)
    # AdaptiveAvgPool1d(comp_dim): embed_dim divisible by comp_dim -> mean over equal chunks
    pooled = time_entire.reshape(T, NUM_NODES, COMP_DIM, EMBED_DIM // COMP_DIM).mean(axis=-1)
    # basket gather + mean: pooled[:, stacked_indices, :].sum(2) / max_len
    gathered = pooled[:, stacked_indices, :]  # [T, COMP_LEN, MAX_LEN, COMP_DIM]
    comp = gathered.sum(axis=2) / stacked_indices.shape[1]
    comp = comp.reshape(T, 1, COMP_LEN * COMP_DIM)
    # encode_final_layer_norm
    out = layer_norm(comp, ln2_scale, ln2_bias)
    return out

if __name__ == "__main__":
    import jax
    _d = setup_inputs()
    print(jax.jit(kernel)(*tuple(_d.values())))

</pallas_src>

<mosaic_0001>
#map = affine_map<(d0, d1) -> (0, 0, 0)>
#map1 = affine_map<(d0, d1) -> (0)>
#map2 = affine_map<(d0, d1) -> (0, 0)>
module attributes {stable_mosaic.version = 14 : i64} {
  func.func @k(%arg0: i32, %arg1: i32, %arg2: memref<8x8x128xi32, #tpu.memory_space<hbm>>, %arg3: memref<8192xi32, #tpu.memory_space<hbm>>, %arg4: memref<64x128xi32, #tpu.memory_space<hbm>>, %arg5: memref<12800xf32, #tpu.memory_space<hbm>>, %arg6: memref<128xf32, #tpu.memory_space<hbm>>, %arg7: memref<8x16384xf32, #tpu.memory_space<hbm>>, %arg8: memref<204800xf32, #tpu.memory_space<vmem_shared>>, %arg9: memref<65536xf32, #tpu.memory_space<vmem_shared>>, %arg10: memref<2x128xi32, #tpu.memory_space<vmem>>, %arg11: memref<2048xi32, #tpu.memory_space<vmem>>, %arg12: memref<16x128xi32, #tpu.memory_space<vmem>>, %arg13: memref<16x128xf32, #tpu.memory_space<vmem>>, %arg14: memref<128xf32, #tpu.memory_space<vmem>>, %arg15: memref<12800xf32, #tpu.memory_space<vmem>>, %arg16: memref<4096xf32, #tpu.memory_space<vmem>>, %arg17: memref<!tpu.dma_semaphore, #tpu.memory_space<semaphore_mem>>, %arg18: memref<!tpu.dma_semaphore, #tpu.memory_space<semaphore_mem>>) attributes {dimension_semantics = [#tpu.dimension_semantics<core_parallel>, #tpu.dimension_semantics<subcore_parallel>], iteration_bounds = array<i64: 2, 16>, scalar_prefetch = 0 : i64, scratch_operands = 11 : i64, tpu.core_type = #tpu.core_type<sc_vector_subcore>, window_params = [{transform_indices = #map}, {transform_indices = #map1}, {transform_indices = #map2}, {transform_indices = #map1}, {transform_indices = #map1}, {transform_indices = #map2}]} {
    %jit3A = arith.constant 4 : i32
    %eq3A = arith.constant 0 : i32
    %eq3A_0 = arith.cmpi eq, %jit3A, %eq3A : i32
    %jit3A_1 = arith.constant 1 : i32
    %select_n3A = arith.select %eq3A_0, %jit3A_1, %jit3A : i32
    %rem3A = arith.remsi %arg1, %select_n3A : i32
    %ne3A = arith.constant 0 : i32
    %ne3A_2 = arith.cmpi ne, %rem3A, %ne3A : i32
    %lt3A = arith.constant 0 : i32
    %lt3A_3 = arith.cmpi slt, %rem3A, %lt3A : i32
    %lt3A_4 = arith.constant 0 : i32
    %lt3A_5 = arith.cmpi slt, %select_n3A, %lt3A_4 : i32
    %ne3A_6 = arith.xori %lt3A_3, %lt3A_5 : i1
    %and3A = arith.andi %ne3A_6, %ne3A_2 : i1
    %add3A = arith.addi %rem3A, %select_n3A : i32
    %select_n3A_7 = arith.select %and3A, %add3A, %rem3A : i32
    %mul3A = arith.constant 2 : i32
    %mul3A_8 = arith.muli %mul3A, %select_n3A_7 : i32
    %add3A_9 = arith.addi %arg0, %mul3A_8 : i32
    %jit3A_10 = arith.constant 4 : i32
    %div3A = arith.divsi %arg1, %jit3A_10 : i32
    %sign3A = arith.constant 0 : i32
    %sign3A_11 = arith.cmpi sgt, %arg1, %sign3A : i32
    %sign3A_12 = arith.extui %sign3A_11 : i1 to i32
    %sign3A_13 = arith.constant 0 : i32
    %sign3A_14 = arith.cmpi slt, %arg1, %sign3A_13 : i32
    %sign3A_15 = arith.extui %sign3A_14 : i1 to i32
    %sign3A_16 = arith.subi %sign3A_12, %sign3A_15 : i32
    %sign3A_17 = arith.constant 0 : i32
    %sign3A_18 = arith.cmpi sgt, %jit3A_10, %sign3A_17 : i32
    %sign3A_19 = arith.extui %sign3A_18 : i1 to i32
    %sign3A_20 = arith.constant 0 : i32
    %sign3A_21 = arith.cmpi slt, %jit3A_10, %sign3A_20 : i32
    %sign3A_22 = arith.extui %sign3A_21 : i1 to i32
    %sign3A_23 = arith.subi %sign3A_19, %sign3A_22 : i32
    %ne3A_24 = arith.cmpi ne, %sign3A_16, %sign3A_23 : i32
    %rem3A_25 = arith.remsi %arg1, %jit3A_10 : i32
    %ne3A_26 = arith.constant 0 : i32
    %ne3A_27 = arith.cmpi ne, %rem3A_25, %ne3A_26 : i32
    %and3A_28 = arith.andi %ne3A_24, %ne3A_27 : i1
    %sub3A = arith.constant 1 : i32
    %sub3A_29 = arith.subi %div3A, %sub3A : i32
    %select_n3A_30 = arith.select %and3A_28, %sub3A_29, %div3A : i32
    %mul3A_31 = arith.constant 51200 : i32
    %mul3A_32 = arith.muli %select_n3A_7, %mul3A_31 : i32
    %mul3A_33 = arith.constant 12800 : i32
    %mul3A_34 = arith.muli %select_n3A_30, %mul3A_33 : i32
    %add3A_35 = arith.addi %mul3A_32, %mul3A_34 : i32
    %multiple_of3A = tpu.assume_multiple %add3A_35, 8 : i32
    %mul3A_36 = arith.constant 16384 : i32
    %mul3A_37 = arith.muli %select_n3A_7, %mul3A_36 : i32
    %mul3A_38 = arith.constant 4096 : i32
    %mul3A_39 = arith.muli %select_n3A_30, %mul3A_38 : i32
    %add3A_40 = arith.addi %mul3A_37, %mul3A_39 : i32
    %multiple_of3A_41 = tpu.assume_multiple %add3A_40, 8 : i32
    %mul3A_42 = arith.constant 51200 : i32
    %mul3A_43 = arith.muli %select_n3A_7, %mul3A_42 : i32
    %multiple_of3A_44 = tpu.assume_multiple %mul3A_43, 8 : i32
    %mul3A_45 = arith.constant 16384 : i32
    %mul3A_46 = arith.muli %select_n3A_7, %mul3A_45 : i32
    %multiple_of3A_47 = tpu.assume_multiple %mul3A_46, 8 : i32
    tpu.enqueue_dma source(%arg5 : memref<12800xf32, #tpu.memory_space<hbm>>) target(%arg15 : memref<12800xf32, #tpu.memory_space<vmem>>) target_semaphore(%arg17 : memref<!tpu.dma_semaphore, #tpu.memory_space<semaphore_mem>>)
    tpu.enqueue_dma source(%arg6 : memref<128xf32, #tpu.memory_space<hbm>>) target(%arg14 : memref<128xf32, #tpu.memory_space<vmem>>) target_semaphore(%arg17 : memref<!tpu.dma_semaphore, #tpu.memory_space<semaphore_mem>>)
    %mul3A_48 = arith.constant 2048 : i32
    %mul3A_49 = arith.muli %select_n3A_30, %mul3A_48 : i32
    %dma_start3A = tpu.memref_slice %arg3[%mul3A_49] : memref<8192xi32, #tpu.memory_space<hbm>> -> memref<2048xi32, #tpu.memory_space<hbm>>
    %dma_start3A_50 = tpu.memref_slice %arg3[%mul3A_49] : memref<8192xi32, #tpu.memory_space<hbm>> -> memref<2048xi32, #tpu.memory_space<hbm>>
    tpu.enqueue_dma source(%dma_start3A_50 : memref<2048xi32, #tpu.memory_space<hbm>>) target(%arg11 : memref<2048xi32, #tpu.memory_space<vmem>>) target_semaphore(%arg17 : memref<!tpu.dma_semaphore, #tpu.memory_space<semaphore_mem>>)
    %mul3A_51 = arith.constant 2 : i32
    %mul3A_52 = arith.muli %select_n3A_30, %mul3A_51 : i32
    %dma_start3A_53 = arith.constant 0 : i32
    %dma_start3A_54 = arith.constant 0 : i32
    %dma_start3A_55 = tpu.memref_slice %arg2[%add3A_9, %dma_start3A_53, %dma_start3A_54] : memref<8x8x128xi32, #tpu.memory_space<hbm>> -> memref<1x8x128xi32, #tpu.memory_space<hbm>>
    %dma_start3A_56 = tpu.memref_squeeze %dma_start3A_55 : memref<1x8x128xi32, #tpu.memory_space<hbm>> -> memref<8x128xi32, #tpu.memory_space<hbm>>
    %dma_start3A_57 = arith.constant 0 : i32
    %dma_start3A_58 = tpu.memref_slice %dma_start3A_56[%mul3A_52, %dma_start3A_57] : memref<8x128xi32, #tpu.memory_space<hbm>> -> memref<2x128xi32, #tpu.memory_space<hbm>>
    %dma_start3A_59 = arith.constant 0 : i32
    %dma_start3A_60 = arith.constant 0 : i32
    %dma_start3A_61 = tpu.memref_slice %arg2[%add3A_9, %dma_start3A_59, %dma_start3A_60] : memref<8x8x128xi32, #tpu.memory_space<hbm>> -> memref<1x8x128xi32, #tpu.memory_space<hbm>>
    %dma_start3A_62 = tpu.memref_squeeze %dma_start3A_61 : memref<1x8x128xi32, #tpu.memory_space<hbm>> -> memref<8x128xi32, #tpu.memory_space<hbm>>
    %dma_start3A_63 = arith.constant 0 : i32
    %dma_start3A_64 = tpu.memref_slice %dma_start3A_62[%mul3A_52, %dma_start3A_63] : memref<8x128xi32, #tpu.memory_space<hbm>> -> memref<2x128xi32, #tpu.memory_space<hbm>>
    tpu.enqueue_dma source(%dma_start3A_64 : memref<2x128xi32, #tpu.memory_space<hbm>>) target(%arg10 : memref<2x128xi32, #tpu.memory_space<vmem>>) target_semaphore(%arg17 : memref<!tpu.dma_semaphore, #tpu.memory_space<semaphore_mem>>)
    %mul3A_65 = arith.constant 16 : i32
    %mul3A_66 = arith.muli %select_n3A_30, %mul3A_65 : i32
    %dma_start3A_67 = arith.constant 0 : i32
    %dma_start3A_68 = tpu.memref_slice %arg4[%mul3A_66, %dma_start3A_67] : memref<64x128xi32, #tpu.memory_space<hbm>> -> memref<16x128xi32, #tpu.memory_space<hbm>>
    %dma_start3A_69 = arith.constant 0 : i32
    %dma_start3A_70 = tpu.memref_slice %arg4[%mul3A_66, %dma_start3A_69] : memref<64x128xi32, #tpu.memory_space<hbm>> -> memref<16x128xi32, #tpu.memory_space<hbm>>
    tpu.enqueue_dma source(%dma_start3A_70 : memref<16x128xi32, #tpu.memory_space<hbm>>) target(%arg12 : memref<16x128xi32, #tpu.memory_space<vmem>>) target_semaphore(%arg17 : memref<!tpu.dma_semaphore, #tpu.memory_space<semaphore_mem>>)
    tpu.wait_dma2 semaphore(%arg17 : memref<!tpu.dma_semaphore, #tpu.memory_space<semaphore_mem>>) src(%arg5 : memref<12800xf32, #tpu.memory_space<hbm>>) dst(%arg15 : memref<12800xf32, #tpu.memory_space<vmem>>)
    tpu.wait_dma2 semaphore(%arg17 : memref<!tpu.dma_semaphore, #tpu.memory_space<semaphore_mem>>) src(%arg6 : memref<128xf32, #tpu.memory_space<hbm>>) dst(%arg14 : memref<128xf32, #tpu.memory_space<vmem>>)
    %dma_wait3A = tpu.memref_slice %arg3[%mul3A_49] : memref<8192xi32, #tpu.memory_space<hbm>> -> memref<2048xi32, #tpu.memory_space<hbm>>
    %dma_wait3A_71 = tpu.memref_slice %arg3[%mul3A_49] : memref<8192xi32, #tpu.memory_space<hbm>> -> memref<2048xi32, #tpu.memory_space<hbm>>
    tpu.wait_dma2 semaphore(%arg17 : memref<!tpu.dma_semaphore, #tpu.memory_space<semaphore_mem>>) src(%dma_wait3A_71 : memref<2048xi32, #tpu.memory_space<hbm>>) dst(%arg11 : memref<2048xi32, #tpu.memory_space<vmem>>)
    %dma_wait3A_72 = arith.constant 0 : i32
    %dma_wait3A_73 = arith.constant 0 : i32
    %dma_wait3A_74 = tpu.memref_slice %arg2[%add3A_9, %dma_wait3A_72, %dma_wait3A_73] : memref<8x8x128xi32, #tpu.memory_space<hbm>> -> memref<1x8x128xi32, #tpu.memory_space<hbm>>
    %dma_wait3A_75 = tpu.memref_squeeze %dma_wait3A_74 : memref<1x8x128xi32, #tpu.memory_space<hbm>> -> memref<8x128xi32, #tpu.memory_space<hbm>>
    %dma_wait3A_76 = arith.constant 0 : i32
    %dma_wait3A_77 = tpu.memref_slice %dma_wait3A_75[%mul3A_52, %dma_wait3A_76] : memref<8x128xi32, #tpu.memory_space<hbm>> -> memref<2x128xi32, #tpu.memory_space<hbm>>
    %dma_wait3A_78 = arith.constant 0 : i32
    %dma_wait3A_79 = arith.constant 0 : i32
    %dma_wait3A_80 = tpu.memref_slice %arg2[%add3A_9, %dma_wait3A_78, %dma_wait3A_79] : memref<8x8x128xi32, #tpu.memory_space<hbm>> -> memref<1x8x128xi32, #tpu.memory_space<hbm>>
    %dma_wait3A_81 = tpu.memref_squeeze %dma_wait3A_80 : memref<1x8x128xi32, #tpu.memory_space<hbm>> -> memref<8x128xi32, #tpu.memory_space<hbm>>
    %dma_wait3A_82 = arith.constant 0 : i32
    %dma_wait3A_83 = tpu.memref_slice %dma_wait3A_81[%mul3A_52, %dma_wait3A_82] : memref<8x128xi32, #tpu.memory_space<hbm>> -> memref<2x128xi32, #tpu.memory_space<hbm>>
    tpu.wait_dma2 semaphore(%arg17 : memref<!tpu.dma_semaphore, #tpu.memory_space<semaphore_mem>>) src(%dma_wait3A_83 : memref<2x128xi32, #tpu.memory_space<hbm>>) dst(%arg10 : memref<2x128xi32, #tpu.memory_space<vmem>>)
    %dma_wait3A_84 = arith.constant 0 : i32
    %dma_wait3A_85 = tpu.memref_slice %arg4[%mul3A_66, %dma_wait3A_84] : memref<64x128xi32, #tpu.memory_space<hbm>> -> memref<16x128xi32, #tpu.memory_space<hbm>>
    %dma_wait3A_86 = arith.constant 0 : i32
    %dma_wait3A_87 = tpu.memref_slice %arg4[%mul3A_66, %dma_wait3A_86] : memref<64x128xi32, #tpu.memory_space<hbm>> -> memref<16x128xi32, #tpu.memory_space<hbm>>
    tpu.wait_dma2 semaphore(%arg17 : memref<!tpu.dma_semaphore, #tpu.memory_space<semaphore_mem>>) src(%dma_wait3A_87 : memref<16x128xi32, #tpu.memory_space<hbm>>) dst(%arg12 : memref<16x128xi32, #tpu.memory_space<vmem>>)
    "tpu.region"() ({
      %run_scoped3A = tpu.sem_alloc : memref<!tpu.dma_semaphore, #tpu.memory_space<semaphore_mem>>
      %dma_start3A_772 = tpu.memref_slice %arg8[%multiple_of3A] : memref<204800xf32, #tpu.memory_space<vmem_shared>> -> memref<12800xf32, #tpu.memory_space<vmem_shared>>
      %dma_start3A_773 = tpu.memref_slice %arg8[%multiple_of3A] : memref<204800xf32, #tpu.memory_space<vmem_shared>> -> memref<12800xf32, #tpu.memory_space<vmem_shared>>
      tpu.enqueue_dma source(%arg15 : memref<12800xf32, #tpu.memory_space<vmem>>) target(%dma_start3A_773 : memref<12800xf32, #tpu.memory_space<vmem_shared>>) target_semaphore(%run_scoped3A : memref<!tpu.dma_semaphore, #tpu.memory_space<semaphore_mem>>)
      %dma_wait3A_774 = tpu.memref_slice %arg8[%multiple_of3A] : memref<204800xf32, #tpu.memory_space<vmem_shared>> -> memref<12800xf32, #tpu.memory_space<vmem_shared>>
      %dma_wait3A_775 = tpu.memref_slice %arg8[%multiple_of3A] : memref<204800xf32, #tpu.memory_space<vmem_shared>> -> memref<12800xf32, #tpu.memory_space<vmem_shared>>
      tpu.wait_dma2 semaphore(%run_scoped3A : memref<!tpu.dma_semaphore, #tpu.memory_space<semaphore_mem>>) src(%arg15 : memref<12800xf32, #tpu.memory_space<vmem>>) dst(%dma_wait3A_775 : memref<12800xf32, #tpu.memory_space<vmem_shared>>)
      tpu.yield
    }) : () -> ()
    %barrier3A = arith.constant 0 : index
    tpu.barrier barrier_id(%barrier3A)
    %dma_start3A_88 = arith.constant 0 : i32
    %dma_start3A_89 = arith.constant 0 : i32
    %dma_start3A_90 = tpu.memref_slice %arg10[%dma_start3A_88, %dma_start3A_89] : memref<2x128xi32, #tpu.memory_space<vmem>> -> memref<1x128xi32, #tpu.memory_space<vmem>>
    %dma_start3A_91 = tpu.memref_squeeze %dma_start3A_90 : memref<1x128xi32, #tpu.memory_space<vmem>> -> memref<128xi32, #tpu.memory_space<vmem>>
    %dma_start3A_92 = tpu.memref_slice %arg8[%multiple_of3A_44] : memref<204800xf32, #tpu.memory_space<vmem_shared>> -> memref<51200xf32, #tpu.memory_space<vmem_shared>>
    %dma_start3A_93 = arith.constant 0 : i32
    %dma_start3A_94 = tpu.memref_slice %dma_start3A_92[%dma_start3A_93] : memref<51200xf32, #tpu.memory_space<vmem_shared>> -> memref<51200xf32, #tpu.memory_space<vmem_shared>>
    tpu.enqueue_indirect_dma source(%arg14 : memref<128xf32, #tpu.memory_space<vmem>>) target(%dma_start3A_94 : memref<51200xf32, #tpu.memory_space<vmem_shared>>) offsets(%dma_start3A_91 : memref<128xi32, #tpu.memory_space<vmem>>) semaphore(%arg17 : memref<!tpu.dma_semaphore, #tpu.memory_space<semaphore_mem>>) {add = true}
    %dma_start3A_95 = arith.constant 1 : i32
    %dma_start3A_96 = arith.constant 0 : i32
    %dma_start3A_97 = tpu.memref_slice %arg10[%dma_start3A_95, %dma_start3A_96] : memref<2x128xi32, #tpu.memory_space<vmem>> -> memref<1x128xi32, #tpu.memory_space<vmem>>
    %dma_start3A_98 = tpu.memref_squeeze %dma_start3A_97 : memref<1x128xi32, #tpu.memory_space<vmem>> -> memref<128xi32, #tpu.memory_space<vmem>>
    %dma_start3A_99 = tpu.memref_slice %arg8[%multiple_of3A_44] : memref<204800xf32, #tpu.memory_space<vmem_shared>> -> memref<51200xf32, #tpu.memory_space<vmem_shared>>
    %dma_start3A_100 = arith.constant 0 : i32
    %dma_start3A_101 = tpu.memref_slice %dma_start3A_99[%dma_start3A_100] : memref<51200xf32, #tpu.memory_space<vmem_shared>> -> memref<51200xf32, #tpu.memory_space<vmem_shared>>
    tpu.enqueue_indirect_dma source(%arg14 : memref<128xf32, #tpu.memory_space<vmem>>) target(%dma_start3A_101 : memref<51200xf32, #tpu.memory_space<vmem_shared>>) offsets(%dma_start3A_98 : memref<128xi32, #tpu.memory_space<vmem>>) semaphore(%arg17 : memref<!tpu.dma_semaphore, #tpu.memory_space<semaphore_mem>>) {add = true}
    %dma_start3A_102 = arith.constant 0 : i32
    %dma_start3A_103 = tpu.memref_slice %arg15[%dma_start3A_102] : memref<12800xf32, #tpu.memory_space<vmem>> -> memref<4096xf32, #tpu.memory_space<vmem>>
    %dma_start3A_104 = tpu.memref_slice %arg9[%multiple_of3A_41] : memref<65536xf32, #tpu.memory_space<vmem_shared>> -> memref<4096xf32, #tpu.memory_space<vmem_shared>>
    %dma_start3A_105 = tpu.memref_slice %arg9[%multiple_of3A_41] : memref<65536xf32, #tpu.memory_space<vmem_shared>> -> memref<4096xf32, #tpu.memory_space<vmem_shared>>
    %dma_start3A_106 = arith.constant 0 : i32
    %dma_start3A_107 = tpu.memref_slice %arg15[%dma_start3A_106] : memref<12800xf32, #tpu.memory_space<vmem>> -> memref<4096xf32, #tpu.memory_space<vmem>>
    tpu.enqueue_dma source(%dma_start3A_107 : memref<4096xf32, #tpu.memory_space<vmem>>) target(%dma_start3A_105 : memref<4096xf32, #tpu.memory_space<vmem_shared>>) target_semaphore(%arg17 : memref<!tpu.dma_semaphore, #tpu.memory_space<semaphore_mem>>)
    %dma_wait3A_108 = arith.constant 0 : i32
    %dma_wait3A_109 = arith.constant 0 : i32
    %dma_wait3A_110 = tpu.memref_slice %arg10[%dma_wait3A_108, %dma_wait3A_109] : memref<2x128xi32, #tpu.memory_space<vmem>> -> memref<1x128xi32, #tpu.memory_space<vmem>>
    %dma_wait3A_111 = tpu.memref_squeeze %dma_wait3A_110 : memref<1x128xi32, #tpu.memory_space<vmem>> -> memref<128xi32, #tpu.memory_space<vmem>>
    %dma_wait3A_112 = tpu.memref_slice %arg8[%multiple_of3A_44] : memref<204800xf32, #tpu.memory_space<vmem_shared>> -> memref<51200xf32, #tpu.memory_space<vmem_shared>>
    %dma_wait3A_113 = arith.constant 0 : i32
    %dma_wait3A_114 = tpu.memref_slice %dma_wait3A_112[%dma_wait3A_113] : memref<51200xf32, #tpu.memory_space<vmem_shared>> -> memref<51200xf32, #tpu.memory_space<vmem_shared>>
    tpu.wait_indirect_dma semaphore(%arg17 : memref<!tpu.dma_semaphore, #tpu.memory_space<semaphore_mem>>) src(%arg14 : memref<128xf32, #tpu.memory_space<vmem>>) dst(%dma_wait3A_114 : memref<51200xf32, #tpu.memory_space<vmem_shared>>)
    %dma_wait3A_115 = arith.constant 1 : i32
    %dma_wait3A_116 = arith.constant 0 : i32
    %dma_wait3A_117 = tpu.memref_slice %arg10[%dma_wait3A_115, %dma_wait3A_116] : memref<2x128xi32, #tpu.memory_space<vmem>> -> memref<1x128xi32, #tpu.memory_space<vmem>>
    %dma_wait3A_118 = tpu.memref_squeeze %dma_wait3A_117 : memref<1x128xi32, #tpu.memory_space<vmem>> -> memref<128xi32, #tpu.memory_space<vmem>>
    %dma_wait3A_119 = tpu.memref_slice %arg8[%multiple_of3A_44] : memref<204800xf32, #tpu.memory_space<vmem_shared>> -> memref<51200xf32, #tpu.memory_space<vmem_shared>>
    %dma_wait3A_120 = arith.constant 0 : i32
    %dma_wait3A_121 = tpu.memref_slice %dma_wait3A_119[%dma_wait3A_120] : memref<51200xf32, #tpu.memory_space<vmem_shared>> -> memref<51200xf32, #tpu.memory_space<vmem_shared>>
    tpu.wait_indirect_dma semaphore(%arg17 : memref<!tpu.dma_semaphore, #tpu.memory_space<semaphore_mem>>) src(%arg14 : memref<128xf32, #tpu.memory_space<vmem>>) dst(%dma_wait3A_121 : memref<51200xf32, #tpu.memory_space<vmem_shared>>)
    %dma_wait3A_122 = arith.constant 0 : i32
    %dma_wait3A_123 = tpu.memref_slice %arg15[%dma_wait3A_122] : memref<12800xf32, #tpu.memory_space<vmem>> -> memref<4096xf32, #tpu.memory_space<vmem>>
    %dma_wait3A_124 = tpu.memref_slice %arg9[%multiple_of3A_41] : memref<65536xf32, #tpu.memory_space<vmem_shared>> -> memref<4096xf32, #tpu.memory_space<vmem_shared>>
    %dma_wait3A_125 = tpu.memref_slice %arg9[%multiple_of3A_41] : memref<65536xf32, #tpu.memory_space<vmem_shared>> -> memref<4096xf32, #tpu.memory_space<vmem_shared>>
    %dma_wait3A_126 = arith.constant 0 : i32
    %dma_wait3A_127 = tpu.memref_slice %arg15[%dma_wait3A_126] : memref<12800xf32, #tpu.memory_space<vmem>> -> memref<4096xf32, #tpu.memory_space<vmem>>
    tpu.wait_dma2 semaphore(%arg17 : memref<!tpu.dma_semaphore, #tpu.memory_space<semaphore_mem>>) src(%dma_wait3A_127 : memref<4096xf32, #tpu.memory_space<vmem>>) dst(%dma_wait3A_125 : memref<4096xf32, #tpu.memory_space<vmem_shared>>)
    %barrier3A_128 = arith.constant 0 : index
    tpu.barrier barrier_id(%barrier3A_128)
    %dma_start3A_129 = arith.constant 0 : i32
    %dma_start3A_130 = arith.constant 0 : i32
    %dma_start3A_131 = tpu.memref_slice %arg13[%dma_start3A_129, %dma_start3A_130] : memref<16x128xf32, #tpu.memory_space<vmem>> -> memref<1x128xf32, #tpu.memory_space<vmem>>
    %dma_start3A_132 = tpu.memref_squeeze %dma_start3A_131 : memref<1x128xf32, #tpu.memory_space<vmem>> -> memref<128xf32, #tpu.memory_space<vmem>>
    %dma_start3A_133 = arith.constant 0 : i32
    %dma_start3A_134 = tpu.memref_slice %arg11[%dma_start3A_133] : memref<2048xi32, #tpu.memory_space<vmem>> -> memref<128xi32, #tpu.memory_space<vmem>>
    %dma_start3A_135 = tpu.memref_slice %arg8[%multiple_of3A_44] : memref<204800xf32, #tpu.memory_space<vmem_shared>> -> memref<51200xf32, #tpu.memory_space<vmem_shared>>
    %dma_start3A_136 = arith.constant 0 : i32
    %dma_start3A_137 = tpu.memref_slice %dma_start3A_135[%dma_start3A_136] : memref<51200xf32, #tpu.memory_space<vmem_shared>> -> memref<51200xf32, #tpu.memory_space<vmem_shared>>
    tpu.enqueue_indirect_dma source(%dma_start3A_137 : memref<51200xf32, #tpu.memory_space<vmem_shared>>) target(%dma_start3A_132 : memref<128xf32, #tpu.memory_space<vmem>>) offsets(%dma_start3A_134 : memref<128xi32, #tpu.memory_space<vmem>>) semaphore(%arg17 : memref<!tpu.dma_semaphore, #tpu.memory_space<semaphore_mem>>)
    %dma_start3A_138 = arith.constant 1 : i32
    %dma_start3A_139 = arith.constant 0 : i32
    %dma_start3A_140 = tpu.memref_slice %arg13[%dma_start3A_138, %dma_start3A_139] : memref<16x128xf32, #tpu.memory_space<vmem>> -> memref<1x128xf32, #tpu.memory_space<vmem>>
    %dma_start3A_141 = tpu.memref_squeeze %dma_start3A_140 : memref<1x128xf32, #tpu.memory_space<vmem>> -> memref<128xf32, #tpu.memory_space<vmem>>
    %dma_start3A_142 = arith.constant 128 : i32
    %dma_start3A_143 = tpu.memref_slice %arg11[%dma_start3A_142] : memref<2048xi32, #tpu.memory_space<vmem>> -> memref<128xi32, #tpu.memory_space<vmem>>
    %dma_start3A_144 = tpu.memref_slice %arg8[%multiple_of3A_44] : memref<204800xf32, #tpu.memory_space<vmem_shared>> -> memref<51200xf32, #tpu.memory_space<vmem_shared>>
    %dma_start3A_145 = arith.constant 0 : i32
    %dma_start3A_146 = tpu.memref_slice %dma_start3A_144[%dma_start3A_145] : memref<51200xf32, #tpu.memory_space<vmem_shared>> -> memref<51200xf32, #tpu.memory_space<vmem_shared>>
    tpu.enqueue_indirect_dma source(%dma_start3A_146 : memref<51200xf32, #tpu.memory_space<vmem_shared>>) target(%dma_start3A_141 : memref<128xf32, #tpu.memory_space<vmem>>) offsets(%dma_start3A_143 : memref<128xi32, #tpu.memory_space<vmem>>) semaphore(%arg17 : memref<!tpu.dma_semaphore, #tpu.memory_space<semaphore_mem>>)
    %dma_start3A_147 = arith.constant 2 : i32
    %dma_start3A_148 = arith.constant 0 : i32
    %dma_start3A_149 = tpu.memref_slice %arg13[%dma_start3A_147, %dma_start3A_148] : memref<16x128xf32, #tpu.memory_space<vmem>> -> memref<1x128xf32, #tpu.memory_space<vmem>>
    %dma_start3A_150 = tpu.memref_squeeze %dma_start3A_149 : memref<1x128xf32, #tpu.memory_space<vmem>> -> memref<128xf32, #tpu.memory_space<vmem>>
    %dma_start3A_151 = arith.constant 256 : i32
    %dma_start3A_152 = tpu.memref_slice %arg11[%dma_start3A_151] : memref<2048xi32, #tpu.memory_space<vmem>> -> memref<128xi32, #tpu.memory_space<vmem>>
    %dma_start3A_153 = tpu.memref_slice %arg8[%multiple_of3A_44] : memref<204800xf32, #tpu.memory_space<vmem_shared>> -> memref<51200xf32, #tpu.memory_space<vmem_shared>>
    %dma_start3A_154 = arith.constant 0 : i32
    %dma_start3A_155 = tpu.memref_slice %dma_start3A_153[%dma_start3A_154] : memref<51200xf32, #tpu.memory_space<vmem_shared>> -> memref<51200xf32, #tpu.memory_space<vmem_shared>>
    tpu.enqueue_indirect_dma source(%dma_start3A_155 : memref<51200xf32, #tpu.memory_space<vmem_shared>>) target(%dma_start3A_150 : memref<128xf32, #tpu.memory_space<vmem>>) offsets(%dma_start3A_152 : memref<128xi32, #tpu.memory_space<vmem>>) semaphore(%arg17 : memref<!tpu.dma_semaphore, #tpu.memory_space<semaphore_mem>>)
    %dma_start3A_156 = arith.constant 3 : i32
    %dma_start3A_157 = arith.constant 0 : i32
    %dma_start3A_158 = tpu.memref_slice %arg13[%dma_start3A_156, %dma_start3A_157] : memref<16x128xf32, #tpu.memory_space<vmem>> -> memref<1x128xf32, #tpu.memory_space<vmem>>
    %dma_start3A_159 = tpu.memref_squeeze %dma_start3A_158 : memref<1x128xf32, #tpu.memory_space<vmem>> -> memref<128xf32, #tpu.memory_space<vmem>>
    %dma_start3A_160 = arith.constant 384 : i32
    %dma_start3A_161 = tpu.memref_slice %arg11[%dma_start3A_160] : memref<2048xi32, #tpu.memory_space<vmem>> -> memref<128xi32, #tpu.memory_space<vmem>>
    %dma_start3A_162 = tpu.memref_slice %arg8[%multiple_of3A_44] : memref<204800xf32, #tpu.memory_space<vmem_shared>> -> memref<51200xf32, #tpu.memory_space<vmem_shared>>
    %dma_start3A_163 = arith.constant 0 : i32
    %dma_start3A_164 = tpu.memref_slice %dma_start3A_162[%dma_start3A_163] : memref<51200xf32, #tpu.memory_space<vmem_shared>> -> memref<51200xf32, #tpu.memory_space<vmem_shared>>
    tpu.enqueue_indirect_dma source(%dma_start3A_164 : memref<51200xf32, #tpu.memory_space<vmem_shared>>) target(%dma_start3A_159 : memref<128xf32, #tpu.memory_space<vmem>>) offsets(%dma_start3A_161 : memref<128xi32, #tpu.memory_space<vmem>>) semaphore(%arg17 : memref<!tpu.dma_semaphore, #tpu.memory_space<semaphore_mem>>)
    %dma_start3A_165 = arith.constant 4 : i32
    %dma_start3A_166 = arith.constant 0 : i32
    %dma_start3A_167 = tpu.memref_slice %arg13[%dma_start3A_165, %dma_start3A_166] : memref<16x128xf32, #tpu.memory_space<vmem>> -> memref<1x128xf32, #tpu.memory_space<vmem>>
    %dma_start3A_168 = tpu.memref_squeeze %dma_start3A_167 : memref<1x128xf32, #tpu.memory_space<vmem>> -> memref<128xf32, #tpu.memory_space<vmem>>
    %dma_start3A_169 = arith.constant 512 : i32
    %dma_start3A_170 = tpu.memref_slice %arg11[%dma_start3A_169] : memref<2048xi32, #tpu.memory_space<vmem>> -> memref<128xi32, #tpu.memory_space<vmem>>
    %dma_start3A_171 = tpu.memref_slice %arg8[%multiple_of3A_44] : memref<204800xf32, #tpu.memory_space<vmem_shared>> -> memref<51200xf32, #tpu.memory_space<vmem_shared>>
    %dma_start3A_172 = arith.constant 0 : i32
    %dma_start3A_173 = tpu.memref_slice %dma_start3A_171[%dma_start3A_172] : memref<51200xf32, #tpu.memory_space<vmem_shared>> -> memref<51200xf32, #tpu.memory_space<vmem_shared>>
    tpu.enqueue_indirect_dma source(%dma_start3A_173 : memref<51200xf32, #tpu.memory_space<vmem_shared>>) target(%dma_start3A_168 : memref<128xf32, #tpu.memory_space<vmem>>) offsets(%dma_start3A_170 : memref<128xi32, #tpu.memory_space<vmem>>) semaphore(%arg17 : memref<!tpu.dma_semaphore, #tpu.memory_space<semaphore_mem>>)
    %dma_start3A_174 = arith.constant 5 : i32
    %dma_start3A_175 = arith.constant 0 : i32
    %dma_start3A_176 = tpu.memref_slice %arg13[%dma_start3A_174, %dma_start3A_175] : memref<16x128xf32, #tpu.memory_space<vmem>> -> memref<1x128xf32, #tpu.memory_space<vmem>>
    %dma_start3A_177 = tpu.memref_squeeze %dma_start3A_176 : memref<1x128xf32, #tpu.memory_space<vmem>> -> memref<128xf32, #tpu.memory_space<vmem>>
    %dma_start3A_178 = arith.constant 640 : i32
    %dma_start3A_179 = tpu.memref_slice %arg11[%dma_start3A_178] : memref<2048xi32, #tpu.memory_space<vmem>> -> memref<128xi32, #tpu.memory_space<vmem>>
    %dma_start3A_180 = tpu.memref_slice %arg8[%multiple_of3A_44] : memref<204800xf32, #tpu.memory_space<vmem_shared>> -> memref<51200xf32, #tpu.memory_space<vmem_shared>>
    %dma_start3A_181 = arith.constant 0 : i32
    %dma_start3A_182 = tpu.memref_slice %dma_start3A_180[%dma_start3A_181] : memref<51200xf32, #tpu.memory_space<vmem_shared>> -> memref<51200xf32, #tpu.memory_space<vmem_shared>>
    tpu.enqueue_indirect_dma source(%dma_start3A_182 : memref<51200xf32, #tpu.memory_space<vmem_shared>>) target(%dma_start3A_177 : memref<128xf32, #tpu.memory_space<vmem>>) offsets(%dma_start3A_179 : memref<128xi32, #tpu.memory_space<vmem>>) semaphore(%arg17 : memref<!tpu.dma_semaphore, #tpu.memory_space<semaphore_mem>>)
    %dma_start3A_183 = arith.constant 6 : i32
    %dma_start3A_184 = arith.constant 0 : i32
    %dma_start3A_185 = tpu.memref_slice %arg13[%dma_start3A_183, %dma_start3A_184] : memref<16x128xf32, #tpu.memory_space<vmem>> -> memref<1x128xf32, #tpu.memory_space<vmem>>
    %dma_start3A_186 = tpu.memref_squeeze %dma_start3A_185 : memref<1x128xf32, #tpu.memory_space<vmem>> -> memref<128xf32, #tpu.memory_space<vmem>>
    %dma_start3A_187 = arith.constant 768 : i32
    %dma_start3A_188 = tpu.memref_slice %arg11[%dma_start3A_187] : memref<2048xi32, #tpu.memory_space<vmem>> -> memref<128xi32, #tpu.memory_space<vmem>>
    %dma_start3A_189 = tpu.memref_slice %arg8[%multiple_of3A_44] : memref<204800xf32, #tpu.memory_space<vmem_shared>> -> memref<51200xf32, #tpu.memory_space<vmem_shared>>
    %dma_start3A_190 = arith.constant 0 : i32
    %dma_start3A_191 = tpu.memref_slice %dma_start3A_189[%dma_start3A_190] : memref<51200xf32, #tpu.memory_space<vmem_shared>> -> memref<51200xf32, #tpu.memory_space<vmem_shared>>
    tpu.enqueue_indirect_dma source(%dma_start3A_191 : memref<51200xf32, #tpu.memory_space<vmem_shared>>) target(%dma_start3A_186 : memref<128xf32, #tpu.memory_space<vmem>>) offsets(%dma_start3A_188 : memref<128xi32, #tpu.memory_space<vmem>>) semaphore(%arg17 : memref<!tpu.dma_semaphore, #tpu.memory_space<semaphore_mem>>)
    %dma_start3A_192 = arith.constant 7 : i32
    %dma_start3A_193 = arith.constant 0 : i32
    %dma_start3A_194 = tpu.memref_slice %arg13[%dma_start3A_192, %dma_start3A_193] : memref<16x128xf32, #tpu.memory_space<vmem>> -> memref<1x128xf32, #tpu.memory_space<vmem>>
    %dma_start3A_195 = tpu.memref_squeeze %dma_start3A_194 : memref<1x128xf32, #tpu.memory_space<vmem>> -> memref<128xf32, #tpu.memory_space<vmem>>
    %dma_start3A_196 = arith.constant 896 : i32
    %dma_start3A_197 = tpu.memref_slice %arg11[%dma_start3A_196] : memref<2048xi32, #tpu.memory_space<vmem>> -> memref<128xi32, #tpu.memory_space<vmem>>
    %dma_start3A_198 = tpu.memref_slice %arg8[%multiple_of3A_44] : memref<204800xf32, #tpu.memory_space<vmem_shared>> -> memref<51200xf32, #tpu.memory_space<vmem_shared>>
    %dma_start3A_199 = arith.constant 0 : i32
    %dma_start3A_200 = tpu.memref_slice %dma_start3A_198[%dma_start3A_199] : memref<51200xf32, #tpu.memory_space<vmem_shared>> -> memref<51200xf32, #tpu.memory_space<vmem_shared>>
    tpu.enqueue_indirect_dma source(%dma_start3A_200 : memref<51200xf32, #tpu.memory_space<vmem_shared>>) target(%dma_start3A_195 : memref<128xf32, #tpu.memory_space<vmem>>) offsets(%dma_start3A_197 : memref<128xi32, #tpu.memory_space<vmem>>) semaphore(%arg17 : memref<!tpu.dma_semaphore, #tpu.memory_space<semaphore_mem>>)
    %dma_start3A_201 = arith.constant 8 : i32
    %dma_start3A_202 = arith.constant 0 : i32
    %dma_start3A_203 = tpu.memref_slice %arg13[%dma_start3A_201, %dma_start3A_202] : memref<16x128xf32, #tpu.memory_space<vmem>> -> memref<1x128xf32, #tpu.memory_space<vmem>>
    %dma_start3A_204 = tpu.memref_squeeze %dma_start3A_203 : memref<1x128xf32, #tpu.memory_space<vmem>> -> memref<128xf32, #tpu.memory_space<vmem>>
    %dma_start3A_205 = arith.constant 1024 : i32
    %dma_start3A_206 = tpu.memref_slice %arg11[%dma_start3A_205] : memref<2048xi32, #tpu.memory_space<vmem>> -> memref<128xi32, #tpu.memory_space<vmem>>
    %dma_start3A_207 = tpu.memref_slice %arg8[%multiple_of3A_44] : memref<204800xf32, #tpu.memory_space<vmem_shared>> -> memref<51200xf32, #tpu.memory_space<vmem_shared>>
    %dma_start3A_208 = arith.constant 0 : i32
    %dma_start3A_209 = tpu.memref_slice %dma_start3A_207[%dma_start3A_208] : memref<51200xf32, #tpu.memory_space<vmem_shared>> -> memref<51200xf32, #tpu.memory_space<vmem_shared>>
    tpu.enqueue_indirect_dma source(%dma_start3A_209 : memref<51200xf32, #tpu.memory_space<vmem_shared>>) target(%dma_start3A_204 : memref<128xf32, #tpu.memory_space<vmem>>) offsets(%dma_start3A_206 : memref<128xi32, #tpu.memory_space<vmem>>) semaphore(%arg18 : memref<!tpu.dma_semaphore, #tpu.memory_space<semaphore_mem>>)
    %dma_start3A_210 = arith.constant 9 : i32
    %dma_start3A_211 = arith.constant 0 : i32
    %dma_start3A_212 = tpu.memref_slice %arg13[%dma_start3A_210, %dma_start3A_211] : memref<16x128xf32, #tpu.memory_space<vmem>> -> memref<1x128xf32, #tpu.memory_space<vmem>>
    %dma_start3A_213 = tpu.memref_squeeze %dma_start3A_212 : memref<1x128xf32, #tpu.memory_space<vmem>> -> memref<128xf32, #tpu.memory_space<vmem>>
    %dma_start3A_214 = arith.constant 1152 : i32
    %dma_start3A_215 = tpu.memref_slice %arg11[%dma_start3A_214] : memref<2048xi32, #tpu.memory_space<vmem>> -> memref<128xi32, #tpu.memory_space<vmem>>
    %dma_start3A_216 = tpu.memref_slice %arg8[%multiple_of3A_44] : memref<204800xf32, #tpu.memory_space<vmem_shared>> -> memref<51200xf32, #tpu.memory_space<vmem_shared>>
    %dma_start3A_217 = arith.constant 0 : i32
    %dma_start3A_218 = tpu.memref_slice %dma_start3A_216[%dma_start3A_217] : memref<51200xf32, #tpu.memory_space<vmem_shared>> -> memref<51200xf32, #tpu.memory_space<vmem_shared>>
    tpu.enqueue_indirect_dma source(%dma_start3A_218 : memref<51200xf32, #tpu.memory_space<vmem_shared>>) target(%dma_start3A_213 : memref<128xf32, #tpu.memory_space<vmem>>) offsets(%dma_start3A_215 : memref<128xi32, #tpu.memory_space<vmem>>) semaphore(%arg18 : memref<!tpu.dma_semaphore, #tpu.memory_space<semaphore_mem>>)
    %dma_start3A_219 = arith.constant 10 : i32
    %dma_start3A_220 = arith.constant 0 : i32
    %dma_start3A_221 = tpu.memref_slice %arg13[%dma_start3A_219, %dma_start3A_220] : memref<16x128xf32, #tpu.memory_space<vmem>> -> memref<1x128xf32, #tpu.memory_space<vmem>>
    %dma_start3A_222 = tpu.memref_squeeze %dma_start3A_221 : memref<1x128xf32, #tpu.memory_space<vmem>> -> memref<128xf32, #tpu.memory_space<vmem>>
    %dma_start3A_223 = arith.constant 1280 : i32
    %dma_start3A_224 = tpu.memref_slice %arg11[%dma_start3A_223] : memref<2048xi32, #tpu.memory_space<vmem>> -> memref<128xi32, #tpu.memory_space<vmem>>
    %dma_start3A_225 = tpu.memref_slice %arg8[%multiple_of3A_44] : memref<204800xf32, #tpu.memory_space<vmem_shared>> -> memref<51200xf32, #tpu.memory_space<vmem_shared>>
    %dma_start3A_226 = arith.constant 0 : i32
    %dma_start3A_227 = tpu.memref_slice %dma_start3A_225[%dma_start3A_226] : memref<51200xf32, #tpu.memory_space<vmem_shared>> -> memref<51200xf32, #tpu.memory_space<vmem_shared>>
    tpu.enqueue_indirect_dma source(%dma_start3A_227 : memref<51200xf32, #tpu.memory_space<vmem_shared>>) target(%dma_start3A_222 : memref<128xf32, #tpu.memory_space<vmem>>) offsets(%dma_start3A_224 : memref<128xi32, #tpu.memory_space<vmem>>) semaphore(%arg18 : memref<!tpu.dma_semaphore, #tpu.memory_space<semaphore_mem>>)
    %dma_start3A_228 = arith.constant 11 : i32
    %dma_start3A_229 = arith.constant 0 : i32
    %dma_start3A_230 = tpu.memref_slice %arg13[%dma_start3A_228, %dma_start3A_229] : memref<16x128xf32, #tpu.memory_space<vmem>> -> memref<1x128xf32, #tpu.memory_space<vmem>>
    %dma_start3A_231 = tpu.memref_squeeze %dma_start3A_230 : memref<1x128xf32, #tpu.memory_space<vmem>> -> memref<128xf32, #tpu.memory_space<vmem>>
    %dma_start3A_232 = arith.constant 1408 : i32
    %dma_start3A_233 = tpu.memref_slice %arg11[%dma_start3A_232] : memref<2048xi32, #tpu.memory_space<vmem>> -> memref<128xi32, #tpu.memory_space<vmem>>
    %dma_start3A_234 = tpu.memref_slice %arg8[%multiple_of3A_44] : memref<204800xf32, #tpu.memory_space<vmem_shared>> -> memref<51200xf32, #tpu.memory_space<vmem_shared>>
    %dma_start3A_235 = arith.constant 0 : i32
    %dma_start3A_236 = tpu.memref_slice %dma_start3A_234[%dma_start3A_235] : memref<51200xf32, #tpu.memory_space<vmem_shared>> -> memref<51200xf32, #tpu.memory_space<vmem_shared>>
    tpu.enqueue_indirect_dma source(%dma_start3A_236 : memref<51200xf32, #tpu.memory_space<vmem_shared>>) target(%dma_start3A_231 : memref<128xf32, #tpu.memory_space<vmem>>) offsets(%dma_start3A_233 : memref<128xi32, #tpu.memory_space<vmem>>) semaphore(%arg18 : memref<!tpu.dma_semaphore, #tpu.memory_space<semaphore_mem>>)
    %dma_start3A_237 = arith.constant 12 : i32
    %dma_start3A_238 = arith.constant 0 : i32
    %dma_start3A_239 = tpu.memref_slice %arg13[%dma_start3A_237, %dma_start3A_238] : memref<16x128xf32, #tpu.memory_space<vmem>> -> memref<1x128xf32, #tpu.memory_space<vmem>>
    %dma_start3A_240 = tpu.memref_squeeze %dma_start3A_239 : memref<1x128xf32, #tpu.memory_space<vmem>> -> memref<128xf32, #tpu.memory_space<vmem>>
    %dma_start3A_241 = arith.constant 1536 : i32
    %dma_start3A_242 = tpu.memref_slice %arg11[%dma_start3A_241] : memref<2048xi32, #tpu.memory_space<vmem>> -> memref<128xi32, #tpu.memory_space<vmem>>
    %dma_start3A_243 = tpu.memref_slice %arg8[%multiple_of3A_44] : memref<204800xf32, #tpu.memory_space<vmem_shared>> -> memref<51200xf32, #tpu.memory_space<vmem_shared>>
    %dma_start3A_244 = arith.constant 0 : i32
    %dma_start3A_245 = tpu.memref_slice %dma_start3A_243[%dma_start3A_244] : memref<51200xf32, #tpu.memory_space<vmem_shared>> -> memref<51200xf32, #tpu.memory_space<vmem_shared>>
    tpu.enqueue_indirect_dma source(%dma_start3A_245 : memref<51200xf32, #tpu.memory_space<vmem_shared>>) target(%dma_start3A_240 : memref<128xf32, #tpu.memory_space<vmem>>) offsets(%dma_start3A_242 : memref<128xi32, #tpu.memory_space<vmem>>) semaphore(%arg18 : memref<!tpu.dma_semaphore, #tpu.memory_space<semaphore_mem>>)
    %dma_start3A_246 = arith.constant 13 : i32
    %dma_start3A_247 = arith.constant 0 : i32
    %dma_start3A_248 = tpu.memref_slice %arg13[%dma_start3A_246, %dma_start3A_247] : memref<16x128xf32, #tpu.memory_space<vmem>> -> memref<1x128xf32, #tpu.memory_space<vmem>>
    %dma_start3A_249 = tpu.memref_squeeze %dma_start3A_248 : memref<1x128xf32, #tpu.memory_space<vmem>> -> memref<128xf32, #tpu.memory_space<vmem>>
    %dma_start3A_250 = arith.constant 1664 : i32
    %dma_start3A_251 = tpu.memref_slice %arg11[%dma_start3A_250] : memref<2048xi32, #tpu.memory_space<vmem>> -> memref<128xi32, #tpu.memory_space<vmem>>
    %dma_start3A_252 = tpu.memref_slice %arg8[%multiple_of3A_44] : memref<204800xf32, #tpu.memory_space<vmem_shared>> -> memref<51200xf32, #tpu.memory_space<vmem_shared>>
    %dma_start3A_253 = arith.constant 0 : i32
    %dma_start3A_254 = tpu.memref_slice %dma_start3A_252[%dma_start3A_253] : memref<51200xf32, #tpu.memory_space<vmem_shared>> -> memref<51200xf32, #tpu.memory_space<vmem_shared>>
    tpu.enqueue_indirect_dma source(%dma_start3A_254 : memref<51200xf32, #tpu.memory_space<vmem_shared>>) target(%dma_start3A_249 : memref<128xf32, #tpu.memory_space<vmem>>) offsets(%dma_start3A_251 : memref<128xi32, #tpu.memory_space<vmem>>) semaphore(%arg18 : memref<!tpu.dma_semaphore, #tpu.memory_space<semaphore_mem>>)
    %dma_start3A_255 = arith.constant 14 : i32
    %dma_start3A_256 = arith.constant 0 : i32
    %dma_start3A_257 = tpu.memref_slice %arg13[%dma_start3A_255, %dma_start3A_256] : memref<16x128xf32, #tpu.memory_space<vmem>> -> memref<1x128xf32, #tpu.memory_space<vmem>>
    %dma_start3A_258 = tpu.memref_squeeze %dma_start3A_257 : memref<1x128xf32, #tpu.memory_space<vmem>> -> memref<128xf32, #tpu.memory_space<vmem>>
    %dma_start3A_259 = arith.constant 1792 : i32
    %dma_start3A_260 = tpu.memref_slice %arg11[%dma_start3A_259] : memref<2048xi32, #tpu.memory_space<vmem>> -> memref<128xi32, #tpu.memory_space<vmem>>
    %dma_start3A_261 = tpu.memref_slice %arg8[%multiple_of3A_44] : memref<204800xf32, #tpu.memory_space<vmem_shared>> -> memref<51200xf32, #tpu.memory_space<vmem_shared>>
    %dma_start3A_262 = arith.constant 0 : i32
    %dma_start3A_263 = tpu.memref_slice %dma_start3A_261[%dma_start3A_262] : memref<51200xf32, #tpu.memory_space<vmem_shared>> -> memref<51200xf32, #tpu.memory_space<vmem_shared>>
    tpu.enqueue_indirect_dma source(%dma_start3A_263 : memref<51200xf32, #tpu.memory_space<vmem_shared>>) target(%dma_start3A_258 : memref<128xf32, #tpu.memory_space<vmem>>) offsets(%dma_start3A_260 : memref<128xi32, #tpu.memory_space<vmem>>) semaphore(%arg18 : memref<!tpu.dma_semaphore, #tpu.memory_space<semaphore_mem>>)
    %dma_start3A_264 = arith.constant 15 : i32
    %dma_start3A_265 = arith.constant 0 : i32
    %dma_start3A_266 = tpu.memref_slice %arg13[%dma_start3A_264, %dma_start3A_265] : memref<16x128xf32, #tpu.memory_space<vmem>> -> memref<1x128xf32, #tpu.memory_space<vmem>>
    %dma_start3A_267 = tpu.memref_squeeze %dma_start3A_266 : memref<1x128xf32, #tpu.memory_space<vmem>> -> memref<128xf32, #tpu.memory_space<vmem>>
    %dma_start3A_268 = arith.constant 1920 : i32
    %dma_start3A_269 = tpu.memref_slice %arg11[%dma_start3A_268] : memref<2048xi32, #tpu.memory_space<vmem>> -> memref<128xi32, #tpu.memory_space<vmem>>
    %dma_start3A_270 = tpu.memref_slice %arg8[%multiple_of3A_44] : memref<204800xf32, #tpu.memory_space<vmem_shared>> -> memref<51200xf32, #tpu.memory_space<vmem_shared>>
    %dma_start3A_271 = arith.constant 0 : i32
    %dma_start3A_272 = tpu.memref_slice %dma_start3A_270[%dma_start3A_271] : memref<51200xf32, #tpu.memory_space<vmem_shared>> -> memref<51200xf32, #tpu.memory_space<vmem_shared>>
    tpu.enqueue_indirect_dma source(%dma_start3A_272 : memref<51200xf32, #tpu.memory_space<vmem_shared>>) target(%dma_start3A_267 : memref<128xf32, #tpu.memory_space<vmem>>) offsets(%dma_start3A_269 : memref<128xi32, #tpu.memory_space<vmem>>) semaphore(%arg18 : memref<!tpu.dma_semaphore, #tpu.memory_space<semaphore_mem>>)
    %dma_wait3A_273 = arith.constant 0 : i32
    %dma_wait3A_274 = arith.constant 0 : i32
    %dma_wait3A_275 = tpu.memref_slice %arg13[%dma_wait3A_273, %dma_wait3A_274] : memref<16x128xf32, #tpu.memory_space<vmem>> -> memref<1x128xf32, #tpu.memory_space<vmem>>
    %dma_wait3A_276 = tpu.memref_squeeze %dma_wait3A_275 : memref<1x128xf32, #tpu.memory_space<vmem>> -> memref<128xf32, #tpu.memory_space<vmem>>
    %dma_wait3A_277 = arith.constant 0 : i32
    %dma_wait3A_278 = tpu.memref_slice %arg11[%dma_wait3A_277] : memref<2048xi32, #tpu.memory_space<vmem>> -> memref<128xi32, #tpu.memory_space<vmem>>
    %dma_wait3A_279 = tpu.memref_slice %arg8[%multiple_of3A_44] : memref<204800xf32, #tpu.memory_space<vmem_shared>> -> memref<51200xf32, #tpu.memory_space<vmem_shared>>
    %dma_wait3A_280 = arith.constant 0 : i32
    %dma_wait3A_281 = tpu.memref_slice %dma_wait3A_279[%dma_wait3A_280] : memref<51200xf32, #tpu.memory_space<vmem_shared>> -> memref<51200xf32, #tpu.memory_space<vmem_shared>>
    tpu.wait_indirect_dma semaphore(%arg17 : memref<!tpu.dma_semaphore, #tpu.memory_space<semaphore_mem>>) src(%dma_wait3A_281 : memref<51200xf32, #tpu.memory_space<vmem_shared>>) dst(%dma_wait3A_276 : memref<128xf32, #tpu.memory_space<vmem>>)
    %dma_wait3A_282 = arith.constant 1 : i32
    %dma_wait3A_283 = arith.constant 0 : i32
    %dma_wait3A_284 = tpu.memref_slice %arg13[%dma_wait3A_282, %dma_wait3A_283] : memref<16x128xf32, #tpu.memory_space<vmem>> -> memref<1x128xf32, #tpu.memory_space<vmem>>
    %dma_wait3A_285 = tpu.memref_squeeze %dma_wait3A_284 : memref<1x128xf32, #tpu.memory_space<vmem>> -> memref<128xf32, #tpu.memory_space<vmem>>
    %dma_wait3A_286 = arith.constant 128 : i32
    %dma_wait3A_287 = tpu.memref_slice %arg11[%dma_wait3A_286] : memref<2048xi32, #tpu.memory_space<vmem>> -> memref<128xi32, #tpu.memory_space<vmem>>
    %dma_wait3A_288 = tpu.memref_slice %arg8[%multiple_of3A_44] : memref<204800xf32, #tpu.memory_space<vmem_shared>> -> memref<51200xf32, #tpu.memory_space<vmem_shared>>
    %dma_wait3A_289 = arith.constant 0 : i32
    %dma_wait3A_290 = tpu.memref_slice %dma_wait3A_288[%dma_wait3A_289] : memref<51200xf32, #tpu.memory_space<vmem_shared>> -> memref<51200xf32, #tpu.memory_space<vmem_shared>>
    tpu.wait_indirect_dma semaphore(%arg17 : memref<!tpu.dma_semaphore, #tpu.memory_space<semaphore_mem>>) src(%dma_wait3A_290 : memref<51200xf32, #tpu.memory_space<vmem_shared>>) dst(%dma_wait3A_285 : memref<128xf32, #tpu.memory_space<vmem>>)
    %dma_wait3A_291 = arith.constant 2 : i32
    %dma_wait3A_292 = arith.constant 0 : i32
    %dma_wait3A_293 = tpu.memref_slice %arg13[%dma_wait3A_291, %dma_wait3A_292] : memref<16x128xf32, #tpu.memory_space<vmem>> -> memref<1x128xf32, #tpu.memory_space<vmem>>
    %dma_wait3A_294 = tpu.memref_squeeze %dma_wait3A_293 : memref<1x128xf32, #tpu.memory_space<vmem>> -> memref<128xf32, #tpu.memory_space<vmem>>
    %dma_wait3A_295 = arith.constant 256 : i32
    %dma_wait3A_296 = tpu.memref_slice %arg11[%dma_wait3A_295] : memref<2048xi32, #tpu.memory_space<vmem>> -> memref<128xi32, #tpu.memory_space<vmem>>
    %dma_wait3A_297 = tpu.memref_slice %arg8[%multiple_of3A_44] : memref<204800xf32, #tpu.memory_space<vmem_shared>> -> memref<51200xf32, #tpu.memory_space<vmem_shared>>
    %dma_wait3A_298 = arith.constant 0 : i32
    %dma_wait3A_299 = tpu.memref_slice %dma_wait3A_297[%dma_wait3A_298] : memref<51200xf32, #tpu.memory_space<vmem_shared>> -> memref<51200xf32, #tpu.memory_space<vmem_shared>>
    tpu.wait_indirect_dma semaphore(%arg17 : memref<!tpu.dma_semaphore, #tpu.memory_space<semaphore_mem>>) src(%dma_wait3A_299 : memref<51200xf32, #tpu.memory_space<vmem_shared>>) dst(%dma_wait3A_294 : memref<128xf32, #tpu.memory_space<vmem>>)
    %dma_wait3A_300 = arith.constant 3 : i32
    %dma_wait3A_301 = arith.constant 0 : i32
    %dma_wait3A_302 = tpu.memref_slice %arg13[%dma_wait3A_300, %dma_wait3A_301] : memref<16x128xf32, #tpu.memory_space<vmem>> -> memref<1x128xf32, #tpu.memory_space<vmem>>
    %dma_wait3A_303 = tpu.memref_squeeze %dma_wait3A_302 : memref<1x128xf32, #tpu.memory_space<vmem>> -> memref<128xf32, #tpu.memory_space<vmem>>
    %dma_wait3A_304 = arith.constant 384 : i32
    %dma_wait3A_305 = tpu.memref_slice %arg11[%dma_wait3A_304] : memref<2048xi32, #tpu.memory_space<vmem>> -> memref<128xi32, #tpu.memory_space<vmem>>
    %dma_wait3A_306 = tpu.memref_slice %arg8[%multiple_of3A_44] : memref<204800xf32, #tpu.memory_space<vmem_shared>> -> memref<51200xf32, #tpu.memory_space<vmem_shared>>
    %dma_wait3A_307 = arith.constant 0 : i32
    %dma_wait3A_308 = tpu.memref_slice %dma_wait3A_306[%dma_wait3A_307] : memref<51200xf32, #tpu.memory_space<vmem_shared>> -> memref<51200xf32, #tpu.memory_space<vmem_shared>>
    tpu.wait_indirect_dma semaphore(%arg17 : memref<!tpu.dma_semaphore, #tpu.memory_space<semaphore_mem>>) src(%dma_wait3A_308 : memref<51200xf32, #tpu.memory_space<vmem_shared>>) dst(%dma_wait3A_303 : memref<128xf32, #tpu.memory_space<vmem>>)
    %dma_wait3A_309 = arith.constant 4 : i32
    %dma_wait3A_310 = arith.constant 0 : i32
    %dma_wait3A_311 = tpu.memref_slice %arg13[%dma_wait3A_309, %dma_wait3A_310] : memref<16x128xf32, #tpu.memory_space<vmem>> -> memref<1x128xf32, #tpu.memory_space<vmem>>
    %dma_wait3A_312 = tpu.memref_squeeze %dma_wait3A_311 : memref<1x128xf32, #tpu.memory_space<vmem>> -> memref<128xf32, #tpu.memory_space<vmem>>
    %dma_wait3A_313 = arith.constant 512 : i32
    %dma_wait3A_314 = tpu.memref_slice %arg11[%dma_wait3A_313] : memref<2048xi32, #tpu.memory_space<vmem>> -> memref<128xi32, #tpu.memory_space<vmem>>
    %dma_wait3A_315 = tpu.memref_slice %arg8[%multiple_of3A_44] : memref<204800xf32, #tpu.memory_space<vmem_shared>> -> memref<51200xf32, #tpu.memory_space<vmem_shared>>
    %dma_wait3A_316 = arith.constant 0 : i32
    %dma_wait3A_317 = tpu.memref_slice %dma_wait3A_315[%dma_wait3A_316] : memref<51200xf32, #tpu.memory_space<vmem_shared>> -> memref<51200xf32, #tpu.memory_space<vmem_shared>>
    tpu.wait_indirect_dma semaphore(%arg17 : memref<!tpu.dma_semaphore, #tpu.memory_space<semaphore_mem>>) src(%dma_wait3A_317 : memref<51200xf32, #tpu.memory_space<vmem_shared>>) dst(%dma_wait3A_312 : memref<128xf32, #tpu.memory_space<vmem>>)
    %dma_wait3A_318 = arith.constant 5 : i32
    %dma_wait3A_319 = arith.constant 0 : i32
    %dma_wait3A_320 = tpu.memref_slice %arg13[%dma_wait3A_318, %dma_wait3A_319] : memref<16x128xf32, #tpu.memory_space<vmem>> -> memref<1x128xf32, #tpu.memory_space<vmem>>
    %dma_wait3A_321 = tpu.memref_squeeze %dma_wait3A_320 : memref<1x128xf32, #tpu.memory_space<vmem>> -> memref<128xf32, #tpu.memory_space<vmem>>
    %dma_wait3A_322 = arith.constant 640 : i32
    %dma_wait3A_323 = tpu.memref_slice %arg11[%dma_wait3A_322] : memref<2048xi32, #tpu.memory_space<vmem>> -> memref<128xi32, #tpu.memory_space<vmem>>
    %dma_wait3A_324 = tpu.memref_slice %arg8[%multiple_of3A_44] : memref<204800xf32, #tpu.memory_space<vmem_shared>> -> memref<51200xf32, #tpu.memory_space<vmem_shared>>
    %dma_wait3A_325 = arith.constant 0 : i32
    %dma_wait3A_326 = tpu.memref_slice %dma_wait3A_324[%dma_wait3A_325] : memref<51200xf32, #tpu.memory_space<vmem_shared>> -> memref<51200xf32, #tpu.memory_space<vmem_shared>>
    tpu.wait_indirect_dma semaphore(%arg17 : memref<!tpu.dma_semaphore, #tpu.memory_space<semaphore_mem>>) src(%dma_wait3A_326 : memref<51200xf32, #tpu.memory_space<vmem_shared>>) dst(%dma_wait3A_321 : memref<128xf32, #tpu.memory_space<vmem>>)
    %dma_wait3A_327 = arith.constant 6 : i32
    %dma_wait3A_328 = arith.constant 0 : i32
    %dma_wait3A_329 = tpu.memref_slice %arg13[%dma_wait3A_327, %dma_wait3A_328] : memref<16x128xf32, #tpu.memory_space<vmem>> -> memref<1x128xf32, #tpu.memory_space<vmem>>
    %dma_wait3A_330 = tpu.memref_squeeze %dma_wait3A_329 : memref<1x128xf32, #tpu.memory_space<vmem>> -> memref<128xf32, #tpu.memory_space<vmem>>
    %dma_wait3A_331 = arith.constant 768 : i32
    %dma_wait3A_332 = tpu.memref_slice %arg11[%dma_wait3A_331] : memref<2048xi32, #tpu.memory_space<vmem>> -> memref<128xi32, #tpu.memory_space<vmem>>
    %dma_wait3A_333 = tpu.memref_slice %arg8[%multiple_of3A_44] : memref<204800xf32, #tpu.memory_space<vmem_shared>> -> memref<51200xf32, #tpu.memory_space<vmem_shared>>
    %dma_wait3A_334 = arith.constant 0 : i32
    %dma_wait3A_335 = tpu.memref_slice %dma_wait3A_333[%dma_wait3A_334] : memref<51200xf32, #tpu.memory_space<vmem_shared>> -> memref<51200xf32, #tpu.memory_space<vmem_shared>>
    tpu.wait_indirect_dma semaphore(%arg17 : memref<!tpu.dma_semaphore, #tpu.memory_space<semaphore_mem>>) src(%dma_wait3A_335 : memref<51200xf32, #tpu.memory_space<vmem_shared>>) dst(%dma_wait3A_330 : memref<128xf32, #tpu.memory_space<vmem>>)
    %dma_wait3A_336 = arith.constant 7 : i32
    %dma_wait3A_337 = arith.constant 0 : i32
    %dma_wait3A_338 = tpu.memref_slice %arg13[%dma_wait3A_336, %dma_wait3A_337] : memref<16x128xf32, #tpu.memory_space<vmem>> -> memref<1x128xf32, #tpu.memory_space<vmem>>
    %dma_wait3A_339 = tpu.memref_squeeze %dma_wait3A_338 : memref<1x128xf32, #tpu.memory_space<vmem>> -> memref<128xf32, #tpu.memory_space<vmem>>
    %dma_wait3A_340 = arith.constant 896 : i32
    %dma_wait3A_341 = tpu.memref_slice %arg11[%dma_wait3A_340] : memref<2048xi32, #tpu.memory_space<vmem>> -> memref<128xi32, #tpu.memory_space<vmem>>
    %dma_wait3A_342 = tpu.memref_slice %arg8[%multiple_of3A_44] : memref<204800xf32, #tpu.memory_space<vmem_shared>> -> memref<51200xf32, #tpu.memory_space<vmem_shared>>
    %dma_wait3A_343 = arith.constant 0 : i32
    %dma_wait3A_344 = tpu.memref_slice %dma_wait3A_342[%dma_wait3A_343] : memref<51200xf32, #tpu.memory_space<vmem_shared>> -> memref<51200xf32, #tpu.memory_space<vmem_shared>>
    tpu.wait_indirect_dma semaphore(%arg17 : memref<!tpu.dma_semaphore, #tpu.memory_space<semaphore_mem>>) src(%dma_wait3A_344 : memref<51200xf32, #tpu.memory_space<vmem_shared>>) dst(%dma_wait3A_339 : memref<128xf32, #tpu.memory_space<vmem>>)
    %dma_start3A_345 = arith.constant 0 : i32
    %dma_start3A_346 = arith.constant 0 : i32
    %dma_start3A_347 = arith.constant 0 : i32
    %dma_start3A_348 = tpu.memref_slice %arg13[%dma_start3A_345, %dma_start3A_347] : memref<16x128xf32, #tpu.memory_space<vmem>> -> memref<1x128xf32, #tpu.memory_space<vmem>>
    %dma_start3A_349 = tpu.memref_squeeze %dma_start3A_348 : memref<1x128xf32, #tpu.memory_space<vmem>> -> memref<128xf32, #tpu.memory_space<vmem>>
    %dma_start3A_350 = arith.constant 0 : i32
    %dma_start3A_351 = tpu.memref_slice %arg12[%dma_start3A_346, %dma_start3A_350] : memref<16x128xi32, #tpu.memory_space<vmem>> -> memref<1x128xi32, #tpu.memory_space<vmem>>
    %dma_start3A_352 = tpu.memref_squeeze %dma_start3A_351 : memref<1x128xi32, #tpu.memory_space<vmem>> -> memref<128xi32, #tpu.memory_space<vmem>>
    %dma_start3A_353 = tpu.memref_slice %arg9[%multiple_of3A_47] : memref<65536xf32, #tpu.memory_space<vmem_shared>> -> memref<16384xf32, #tpu.memory_space<vmem_shared>>
    %dma_start3A_354 = arith.constant 0 : i32
    %dma_start3A_355 = tpu.memref_slice %dma_start3A_353[%dma_start3A_354] : memref<16384xf32, #tpu.memory_space<vmem_shared>> -> memref<16384xf32, #tpu.memory_space<vmem_shared>>
    tpu.enqueue_indirect_dma source(%dma_start3A_349 : memref<128xf32, #tpu.memory_space<vmem>>) target(%dma_start3A_355 : memref<16384xf32, #tpu.memory_space<vmem_shared>>) offsets(%dma_start3A_352 : memref<128xi32, #tpu.memory_space<vmem>>) semaphore(%arg17 : memref<!tpu.dma_semaphore, #tpu.memory_space<semaphore_mem>>) {add = true}
    %dma_start3A_356 = arith.constant 1 : i32
    %dma_start3A_357 = arith.constant 1 : i32
    %dma_start3A_358 = arith.constant 0 : i32
    %dma_start3A_359 = tpu.memref_slice %arg13[%dma_start3A_356, %dma_start3A_358] : memref<16x128xf32, #tpu.memory_space<vmem>> -> memref<1x128xf32, #tpu.memory_space<vmem>>
    %dma_start3A_360 = tpu.memref_squeeze %dma_start3A_359 : memref<1x128xf32, #tpu.memory_space<vmem>> -> memref<128xf32, #tpu.memory_space<vmem>>
    %dma_start3A_361 = arith.constant 0 : i32
    %dma_start3A_362 = tpu.memref_slice %arg12[%dma_start3A_357, %dma_start3A_361] : memref<16x128xi32, #tpu.memory_space<vmem>> -> memref<1x128xi32, #tpu.memory_space<vmem>>
    %dma_start3A_363 = tpu.memref_squeeze %dma_start3A_362 : memref<1x128xi32, #tpu.memory_space<vmem>> -> memref<128xi32, #tpu.memory_space<vmem>>
    %dma_start3A_364 = tpu.memref_slice %arg9[%multiple_of3A_47] : memref<65536xf32, #tpu.memory_space<vmem_shared>> -> memref<16384xf32, #tpu.memory_space<vmem_shared>>
    %dma_start3A_365 = arith.constant 0 : i32
    %dma_start3A_366 = tpu.memref_slice %dma_start3A_364[%dma_start3A_365] : memref<16384xf32, #tpu.memory_space<vmem_shared>> -> memref<16384xf32, #tpu.memory_space<vmem_shared>>
    tpu.enqueue_indirect_dma source(%dma_start3A_360 : memref<128xf32, #tpu.memory_space<vmem>>) target(%dma_start3A_366 : memref<16384xf32, #tpu.memory_space<vmem_shared>>) offsets(%dma_start3A_363 : memref<128xi32, #tpu.memory_space<vmem>>) semaphore(%arg17 : memref<!tpu.dma_semaphore, #tpu.memory_space<semaphore_mem>>) {add = true}
    %dma_start3A_367 = arith.constant 2 : i32
    %dma_start3A_368 = arith.constant 2 : i32
    %dma_start3A_369 = arith.constant 0 : i32
    %dma_start3A_370 = tpu.memref_slice %arg13[%dma_start3A_367, %dma_start3A_369] : memref<16x128xf32, #tpu.memory_space<vmem>> -> memref<1x128xf32, #tpu.memory_space<vmem>>
    %dma_start3A_371 = tpu.memref_squeeze %dma_start3A_370 : memref<1x128xf32, #tpu.memory_space<vmem>> -> memref<128xf32, #tpu.memory_space<vmem>>
    %dma_start3A_372 = arith.constant 0 : i32
    %dma_start3A_373 = tpu.memref_slice %arg12[%dma_start3A_368, %dma_start3A_372] : memref<16x128xi32, #tpu.memory_space<vmem>> -> memref<1x128xi32, #tpu.memory_space<vmem>>
    %dma_start3A_374 = tpu.memref_squeeze %dma_start3A_373 : memref<1x128xi32, #tpu.memory_space<vmem>> -> memref<128xi32, #tpu.memory_space<vmem>>
    %dma_start3A_375 = tpu.memref_slice %arg9[%multiple_of3A_47] : memref<65536xf32, #tpu.memory_space<vmem_shared>> -> memref<16384xf32, #tpu.memory_space<vmem_shared>>
    %dma_start3A_376 = arith.constant 0 : i32
    %dma_start3A_377 = tpu.memref_slice %dma_start3A_375[%dma_start3A_376] : memref<16384xf32, #tpu.memory_space<vmem_shared>> -> memref<16384xf32, #tpu.memory_space<vmem_shared>>
    tpu.enqueue_indirect_dma source(%dma_start3A_371 : memref<128xf32, #tpu.memory_space<vmem>>) target(%dma_start3A_377 : memref<16384xf32, #tpu.memory_space<vmem_shared>>) offsets(%dma_start3A_374 : memref<128xi32, #tpu.memory_space<vmem>>) semaphore(%arg17 : memref<!tpu.dma_semaphore, #tpu.memory_space<semaphore_mem>>) {add = true}
    %dma_start3A_378 = arith.constant 3 : i32
    %dma_start3A_379 = arith.constant 3 : i32
    %dma_start3A_380 = arith.constant 0 : i32
    %dma_start3A_381 = tpu.memref_slice %arg13[%dma_start3A_378, %dma_start3A_380] : memref<16x128xf32, #tpu.memory_space<vmem>> -> memref<1x128xf32, #tpu.memory_space<vmem>>
    %dma_start3A_382 = tpu.memref_squeeze %dma_start3A_381 : memref<1x128xf32, #tpu.memory_space<vmem>> -> memref<128xf32, #tpu.memory_space<vmem>>
    %dma_start3A_383 = arith.constant 0 : i32
    %dma_start3A_384 = tpu.memref_slice %arg12[%dma_start3A_379, %dma_start3A_383] : memref<16x128xi32, #tpu.memory_space<vmem>> -> memref<1x128xi32, #tpu.memory_space<vmem>>
    %dma_start3A_385 = tpu.memref_squeeze %dma_start3A_384 : memref<1x128xi32, #tpu.memory_space<vmem>> -> memref<128xi32, #tpu.memory_space<vmem>>
    %dma_start3A_386 = tpu.memref_slice %arg9[%multiple_of3A_47] : memref<65536xf32, #tpu.memory_space<vmem_shared>> -> memref<16384xf32, #tpu.memory_space<vmem_shared>>
    %dma_start3A_387 = arith.constant 0 : i32
    %dma_start3A_388 = tpu.memref_slice %dma_start3A_386[%dma_start3A_387] : memref<16384xf32, #tpu.memory_space<vmem_shared>> -> memref<16384xf32, #tpu.memory_space<vmem_shared>>
    tpu.enqueue_indirect_dma source(%dma_start3A_382 : memref<128xf32, #tpu.memory_space<vmem>>) target(%dma_start3A_388 : memref<16384xf32, #tpu.memory_space<vmem_shared>>) offsets(%dma_start3A_385 : memref<128xi32, #tpu.memory_space<vmem>>) semaphore(%arg17 : memref<!tpu.dma_semaphore, #tpu.memory_space<semaphore_mem>>) {add = true}
    %dma_start3A_389 = arith.constant 4 : i32
    %dma_start3A_390 = arith.constant 4 : i32
    %dma_start3A_391 = arith.constant 0 : i32
    %dma_start3A_392 = tpu.memref_slice %arg13[%dma_start3A_389, %dma_start3A_391] : memref<16x128xf32, #tpu.memory_space<vmem>> -> memref<1x128xf32, #tpu.memory_space<vmem>>
    %dma_start3A_393 = tpu.memref_squeeze %dma_start3A_392 : memref<1x128xf32, #tpu.memory_space<vmem>> -> memref<128xf32, #tpu.memory_space<vmem>>
    %dma_start3A_394 = arith.constant 0 : i32
    %dma_start3A_395 = tpu.memref_slice %arg12[%dma_start3A_390, %dma_start3A_394] : memref<16x128xi32, #tpu.memory_space<vmem>> -> memref<1x128xi32, #tpu.memory_space<vmem>>
    %dma_start3A_396 = tpu.memref_squeeze %dma_start3A_395 : memref<1x128xi32, #tpu.memory_space<vmem>> -> memref<128xi32, #tpu.memory_space<vmem>>
    %dma_start3A_397 = tpu.memref_slice %arg9[%multiple_of3A_47] : memref<65536xf32, #tpu.memory_space<vmem_shared>> -> memref<16384xf32, #tpu.memory_space<vmem_shared>>
    %dma_start3A_398 = arith.constant 0 : i32
    %dma_start3A_399 = tpu.memref_slice %dma_start3A_397[%dma_start3A_398] : memref<16384xf32, #tpu.memory_space<vmem_shared>> -> memref<16384xf32, #tpu.memory_space<vmem_shared>>
    tpu.enqueue_indirect_dma source(%dma_start3A_393 : memref<128xf32, #tpu.memory_space<vmem>>) target(%dma_start3A_399 : memref<16384xf32, #tpu.memory_space<vmem_shared>>) offsets(%dma_start3A_396 : memref<128xi32, #tpu.memory_space<vmem>>) semaphore(%arg17 : memref<!tpu.dma_semaphore, #tpu.memory_space<semaphore_mem>>) {add = true}
    %dma_start3A_400 = arith.constant 5 : i32
    %dma_start3A_401 = arith.constant 5 : i32
    %dma_start3A_402 = arith.constant 0 : i32
    %dma_start3A_403 = tpu.memref_slice %arg13[%dma_start3A_400, %dma_start3A_402] : memref<16x128xf32, #tpu.memory_space<vmem>> -> memref<1x128xf32, #tpu.memory_space<vmem>>
    %dma_start3A_404 = tpu.memref_squeeze %dma_start3A_403 : memref<1x128xf32, #tpu.memory_space<vmem>> -> memref<128xf32, #tpu.memory_space<vmem>>
    %dma_start3A_405 = arith.constant 0 : i32
    %dma_start3A_406 = tpu.memref_slice %arg12[%dma_start3A_401, %dma_start3A_405] : memref<16x128xi32, #tpu.memory_space<vmem>> -> memref<1x128xi32, #tpu.memory_space<vmem>>
    %dma_start3A_407 = tpu.memref_squeeze %dma_start3A_406 : memref<1x128xi32, #tpu.memory_space<vmem>> -> memref<128xi32, #tpu.memory_space<vmem>>
    %dma_start3A_408 = tpu.memref_slice %arg9[%multiple_of3A_47] : memref<65536xf32, #tpu.memory_space<vmem_shared>> -> memref<16384xf32, #tpu.memory_space<vmem_shared>>
    %dma_start3A_409 = arith.constant 0 : i32
    %dma_start3A_410 = tpu.memref_slice %dma_start3A_408[%dma_start3A_409] : memref<16384xf32, #tpu.memory_space<vmem_shared>> -> memref<16384xf32, #tpu.memory_space<vmem_shared>>
    tpu.enqueue_indirect_dma source(%dma_start3A_404 : memref<128xf32, #tpu.memory_space<vmem>>) target(%dma_start3A_410 : memref<16384xf32, #tpu.memory_space<vmem_shared>>) offsets(%dma_start3A_407 : memref<128xi32, #tpu.memory_space<vmem>>) semaphore(%arg17 : memref<!tpu.dma_semaphore, #tpu.memory_space<semaphore_mem>>) {add = true}
    %dma_start3A_411 = arith.constant 6 : i32
    %dma_start3A_412 = arith.constant 6 : i32
    %dma_start3A_413 = arith.constant 0 : i32
    %dma_start3A_414 = tpu.memref_slice %arg13[%dma_start3A_411, %dma_start3A_413] : memref<16x128xf32, #tpu.memory_space<vmem>> -> memref<1x128xf32, #tpu.memory_space<vmem>>
    %dma_start3A_415 = tpu.memref_squeeze %dma_start3A_414 : memref<1x128xf32, #tpu.memory_space<vmem>> -> memref<128xf32, #tpu.memory_space<vmem>>
    %dma_start3A_416 = arith.constant 0 : i32
    %dma_start3A_417 = tpu.memref_slice %arg12[%dma_start3A_412, %dma_start3A_416] : memref<16x128xi32, #tpu.memory_space<vmem>> -> memref<1x128xi32, #tpu.memory_space<vmem>>
    %dma_start3A_418 = tpu.memref_squeeze %dma_start3A_417 : memref<1x128xi32, #tpu.memory_space<vmem>> -> memref<128xi32, #tpu.memory_space<vmem>>
    %dma_start3A_419 = tpu.memref_slice %arg9[%multiple_of3A_47] : memref<65536xf32, #tpu.memory_space<vmem_shared>> -> memref<16384xf32, #tpu.memory_space<vmem_shared>>
    %dma_start3A_420 = arith.constant 0 : i32
    %dma_start3A_421 = tpu.memref_slice %dma_start3A_419[%dma_start3A_420] : memref<16384xf32, #tpu.memory_space<vmem_shared>> -> memref<16384xf32, #tpu.memory_space<vmem_shared>>
    tpu.enqueue_indirect_dma source(%dma_start3A_415 : memref<128xf32, #tpu.memory_space<vmem>>) target(%dma_start3A_421 : memref<16384xf32, #tpu.memory_space<vmem_shared>>) offsets(%dma_start3A_418 : memref<128xi32, #tpu.memory_space<vmem>>) semaphore(%arg17 : memref<!tpu.dma_semaphore, #tpu.memory_space<semaphore_mem>>) {add = true}
    %dma_start3A_422 = arith.constant 7 : i32
    %dma_start3A_423 = arith.constant 7 : i32
    %dma_start3A_424 = arith.constant 0 : i32
    %dma_start3A_425 = tpu.memref_slice %arg13[%dma_start3A_422, %dma_start3A_424] : memref<16x128xf32, #tpu.memory_space<vmem>> -> memref<1x128xf32, #tpu.memory_space<vmem>>
    %dma_start3A_426 = tpu.memref_squeeze %dma_start3A_425 : memref<1x128xf32, #tpu.memory_space<vmem>> -> memref<128xf32, #tpu.memory_space<vmem>>
    %dma_start3A_427 = arith.constant 0 : i32
    %dma_start3A_428 = tpu.memref_slice %arg12[%dma_start3A_423, %dma_start3A_427] : memref<16x128xi32, #tpu.memory_space<vmem>> -> memref<1x128xi32, #tpu.memory_space<vmem>>
    %dma_start3A_429 = tpu.memref_squeeze %dma_start3A_428 : memref<1x128xi32, #tpu.memory_space<vmem>> -> memref<128xi32, #tpu.memory_space<vmem>>
    %dma_start3A_430 = tpu.memref_slice %arg9[%multiple_of3A_47] : memref<65536xf32, #tpu.memory_space<vmem_shared>> -> memref<16384xf32, #tpu.memory_space<vmem_shared>>
    %dma_start3A_431 = arith.constant 0 : i32
    %dma_start3A_432 = tpu.memref_slice %dma_start3A_430[%dma_start3A_431] : memref<16384xf32, #tpu.memory_space<vmem_shared>> -> memref<16384xf32, #tpu.memory_space<vmem_shared>>
    tpu.enqueue_indirect_dma source(%dma_start3A_426 : memref<128xf32, #tpu.memory_space<vmem>>) target(%dma_start3A_432 : memref<16384xf32, #tpu.memory_space<vmem_shared>>) offsets(%dma_start3A_429 : memref<128xi32, #tpu.memory_space<vmem>>) semaphore(%arg17 : memref<!tpu.dma_semaphore, #tpu.memory_space<semaphore_mem>>) {add = true}
    %dma_wait3A_433 = arith.constant 8 : i32
    %dma_wait3A_434 = arith.constant 0 : i32
    %dma_wait3A_435 = tpu.memref_slice %arg13[%dma_wait3A_433, %dma_wait3A_434] : memref<16x128xf32, #tpu.memory_space<vmem>> -> memref<1x128xf32, #tpu.memory_space<vmem>>
    %dma_wait3A_436 = tpu.memref_squeeze %dma_wait3A_435 : memref<1x128xf32, #tpu.memory_space<vmem>> -> memref<128xf32, #tpu.memory_space<vmem>>
    %dma_wait3A_437 = arith.constant 1024 : i32
    %dma_wait3A_438 = tpu.memref_slice %arg11[%dma_wait3A_437] : memref<2048xi32, #tpu.memory_space<vmem>> -> memref<128xi32, #tpu.memory_space<vmem>>
    %dma_wait3A_439 = tpu.memref_slice %arg8[%multiple_of3A_44] : memref<204800xf32, #tpu.memory_space<vmem_shared>> -> memref<51200xf32, #tpu.memory_space<vmem_shared>>
    %dma_wait3A_440 = arith.constant 0 : i32
    %dma_wait3A_441 = tpu.memref_slice %dma_wait3A_439[%dma_wait3A_440] : memref<51200xf32, #tpu.memory_space<vmem_shared>> -> memref<51200xf32, #tpu.memory_space<vmem_shared>>
    tpu.wait_indirect_dma semaphore(%arg18 : memref<!tpu.dma_semaphore, #tpu.memory_space<semaphore_mem>>) src(%dma_wait3A_441 : memref<51200xf32, #tpu.memory_space<vmem_shared>>) dst(%dma_wait3A_436 : memref<128xf32, #tpu.memory_space<vmem>>)
    %dma_wait3A_442 = arith.constant 9 : i32
    %dma_wait3A_443 = arith.constant 0 : i32
    %dma_wait3A_444 = tpu.memref_slice %arg13[%dma_wait3A_442, %dma_wait3A_443] : memref<16x128xf32, #tpu.memory_space<vmem>> -> memref<1x128xf32, #tpu.memory_space<vmem>>
    %dma_wait3A_445 = tpu.memref_squeeze %dma_wait3A_444 : memref<1x128xf32, #tpu.memory_space<vmem>> -> memref<128xf32, #tpu.memory_space<vmem>>
    %dma_wait3A_446 = arith.constant 1152 : i32
    %dma_wait3A_447 = tpu.memref_slice %arg11[%dma_wait3A_446] : memref<2048xi32, #tpu.memory_space<vmem>> -> memref<128xi32, #tpu.memory_space<vmem>>
    %dma_wait3A_448 = tpu.memref_slice %arg8[%multiple_of3A_44] : memref<204800xf32, #tpu.memory_space<vmem_shared>> -> memref<51200xf32, #tpu.memory_space<vmem_shared>>
    %dma_wait3A_449 = arith.constant 0 : i32
    %dma_wait3A_450 = tpu.memref_slice %dma_wait3A_448[%dma_wait3A_449] : memref<51200xf32, #tpu.memory_space<vmem_shared>> -> memref<51200xf32, #tpu.memory_space<vmem_shared>>
    tpu.wait_indirect_dma semaphore(%arg18 : memref<!tpu.dma_semaphore, #tpu.memory_space<semaphore_mem>>) src(%dma_wait3A_450 : memref<51200xf32, #tpu.memory_space<vmem_shared>>) dst(%dma_wait3A_445 : memref<128xf32, #tpu.memory_space<vmem>>)
    %dma_wait3A_451 = arith.constant 10 : i32
    %dma_wait3A_452 = arith.constant 0 : i32
    %dma_wait3A_453 = tpu.memref_slice %arg13[%dma_wait3A_451, %dma_wait3A_452] : memref<16x128xf32, #tpu.memory_space<vmem>> -> memref<1x128xf32, #tpu.memory_space<vmem>>
    %dma_wait3A_454 = tpu.memref_squeeze %dma_wait3A_453 : memref<1x128xf32, #tpu.memory_space<vmem>> -> memref<128xf32, #tpu.memory_space<vmem>>
    %dma_wait3A_455 = arith.constant 1280 : i32
    %dma_wait3A_456 = tpu.memref_slice %arg11[%dma_wait3A_455] : memref<2048xi32, #tpu.memory_space<vmem>> -> memref<128xi32, #tpu.memory_space<vmem>>
    %dma_wait3A_457 = tpu.memref_slice %arg8[%multiple_of3A_44] : memref<204800xf32, #tpu.memory_space<vmem_shared>> -> memref<51200xf32, #tpu.memory_space<vmem_shared>>
    %dma_wait3A_458 = arith.constant 0 : i32
    %dma_wait3A_459 = tpu.memref_slice %dma_wait3A_457[%dma_wait3A_458] : memref<51200xf32, #tpu.memory_space<vmem_shared>> -> memref<51200xf32, #tpu.memory_space<vmem_shared>>
    tpu.wait_indirect_dma semaphore(%arg18 : memref<!tpu.dma_semaphore, #tpu.memory_space<semaphore_mem>>) src(%dma_wait3A_459 : memref<51200xf32, #tpu.memory_space<vmem_shared>>) dst(%dma_wait3A_454 : memref<128xf32, #tpu.memory_space<vmem>>)
    %dma_wait3A_460 = arith.constant 11 : i32
    %dma_wait3A_461 = arith.constant 0 : i32
    %dma_wait3A_462 = tpu.memref_slice %arg13[%dma_wait3A_460, %dma_wait3A_461] : memref<16x128xf32, #tpu.memory_space<vmem>> -> memref<1x128xf32, #tpu.memory_space<vmem>>
    %dma_wait3A_463 = tpu.memref_squeeze %dma_wait3A_462 : memref<1x128xf32, #tpu.memory_space<vmem>> -> memref<128xf32, #tpu.memory_space<vmem>>
    %dma_wait3A_464 = arith.constant 1408 : i32
    %dma_wait3A_465 = tpu.memref_slice %arg11[%dma_wait3A_464] : memref<2048xi32, #tpu.memory_space<vmem>> -> memref<128xi32, #tpu.memory_space<vmem>>
    %dma_wait3A_466 = tpu.memref_slice %arg8[%multiple_of3A_44] : memref<204800xf32, #tpu.memory_space<vmem_shared>> -> memref<51200xf32, #tpu.memory_space<vmem_shared>>
    %dma_wait3A_467 = arith.constant 0 : i32
    %dma_wait3A_468 = tpu.memref_slice %dma_wait3A_466[%dma_wait3A_467] : memref<51200xf32, #tpu.memory_space<vmem_shared>> -> memref<51200xf32, #tpu.memory_space<vmem_shared>>
    tpu.wait_indirect_dma semaphore(%arg18 : memref<!tpu.dma_semaphore, #tpu.memory_space<semaphore_mem>>) src(%dma_wait3A_468 : memref<51200xf32, #tpu.memory_space<vmem_shared>>) dst(%dma_wait3A_463 : memref<128xf32, #tpu.memory_space<vmem>>)
    %dma_wait3A_469 = arith.constant 12 : i32
    %dma_wait3A_470 = arith.constant 0 : i32
    %dma_wait3A_471 = tpu.memref_slice %arg13[%dma_wait3A_469, %dma_wait3A_470] : memref<16x128xf32, #tpu.memory_space<vmem>> -> memref<1x128xf32, #tpu.memory_space<vmem>>
    %dma_wait3A_472 = tpu.memref_squeeze %dma_wait3A_471 : memref<1x128xf32, #tpu.memory_space<vmem>> -> memref<128xf32, #tpu.memory_space<vmem>>
    %dma_wait3A_473 = arith.constant 1536 : i32
    %dma_wait3A_474 = tpu.memref_slice %arg11[%dma_wait3A_473] : memref<2048xi32, #tpu.memory_space<vmem>> -> memref<128xi32, #tpu.memory_space<vmem>>
    %dma_wait3A_475 = tpu.memref_slice %arg8[%multiple_of3A_44] : memref<204800xf32, #tpu.memory_space<vmem_shared>> -> memref<51200xf32, #tpu.memory_space<vmem_shared>>
    %dma_wait3A_476 = arith.constant 0 : i32
    %dma_wait3A_477 = tpu.memref_slice %dma_wait3A_475[%dma_wait3A_476] : memref<51200xf32, #tpu.memory_space<vmem_shared>> -> memref<51200xf32, #tpu.memory_space<vmem_shared>>
    tpu.wait_indirect_dma semaphore(%arg18 : memref<!tpu.dma_semaphore, #tpu.memory_space<semaphore_mem>>) src(%dma_wait3A_477 : memref<51200xf32, #tpu.memory_space<vmem_shared>>) dst(%dma_wait3A_472 : memref<128xf32, #tpu.memory_space<vmem>>)
    %dma_wait3A_478 = arith.constant 13 : i32
    %dma_wait3A_479 = arith.constant 0 : i32
    %dma_wait3A_480 = tpu.memref_slice %arg13[%dma_wait3A_478, %dma_wait3A_479] : memref<16x128xf32, #tpu.memory_space<vmem>> -> memref<1x128xf32, #tpu.memory_space<vmem>>
    %dma_wait3A_481 = tpu.memref_squeeze %dma_wait3A_480 : memref<1x128xf32, #tpu.memory_space<vmem>> -> memref<128xf32, #tpu.memory_space<vmem>>
    %dma_wait3A_482 = arith.constant 1664 : i32
    %dma_wait3A_483 = tpu.memref_slice %arg11[%dma_wait3A_482] : memref<2048xi32, #tpu.memory_space<vmem>> -> memref<128xi32, #tpu.memory_space<vmem>>
    %dma_wait3A_484 = tpu.memref_slice %arg8[%multiple_of3A_44] : memref<204800xf32, #tpu.memory_space<vmem_shared>> -> memref<51200xf32, #tpu.memory_space<vmem_shared>>
    %dma_wait3A_485 = arith.constant 0 : i32
    %dma_wait3A_486 = tpu.memref_slice %dma_wait3A_484[%dma_wait3A_485] : memref<51200xf32, #tpu.memory_space<vmem_shared>> -> memref<51200xf32, #tpu.memory_space<vmem_shared>>
    tpu.wait_indirect_dma semaphore(%arg18 : memref<!tpu.dma_semaphore, #tpu.memory_space<semaphore_mem>>) src(%dma_wait3A_486 : memref<51200xf32, #tpu.memory_space<vmem_shared>>) dst(%dma_wait3A_481 : memref<128xf32, #tpu.memory_space<vmem>>)
    %dma_wait3A_487 = arith.constant 14 : i32
    %dma_wait3A_488 = arith.constant 0 : i32
    %dma_wait3A_489 = tpu.memref_slice %arg13[%dma_wait3A_487, %dma_wait3A_488] : memref<16x128xf32, #tpu.memory_space<vmem>> -> memref<1x128xf32, #tpu.memory_space<vmem>>
    %dma_wait3A_490 = tpu.memref_squeeze %dma_wait3A_489 : memref<1x128xf32, #tpu.memory_space<vmem>> -> memref<128xf32, #tpu.memory_space<vmem>>
    %dma_wait3A_491 = arith.constant 1792 : i32
    %dma_wait3A_492 = tpu.memref_slice %arg11[%dma_wait3A_491] : memref<2048xi32, #tpu.memory_space<vmem>> -> memref<128xi32, #tpu.memory_space<vmem>>
    %dma_wait3A_493 = tpu.memref_slice %arg8[%multiple_of3A_44] : memref<204800xf32, #tpu.memory_space<vmem_shared>> -> memref<51200xf32, #tpu.memory_space<vmem_shared>>
    %dma_wait3A_494 = arith.constant 0 : i32
    %dma_wait3A_495 = tpu.memref_slice %dma_wait3A_493[%dma_wait3A_494] : memref<51200xf32, #tpu.memory_space<vmem_shared>> -> memref<51200xf32, #tpu.memory_space<vmem_shared>>
    tpu.wait_indirect_dma semaphore(%arg18 : memref<!tpu.dma_semaphore, #tpu.memory_space<semaphore_mem>>) src(%dma_wait3A_495 : memref<51200xf32, #tpu.memory_space<vmem_shared>>) dst(%dma_wait3A_490 : memref<128xf32, #tpu.memory_space<vmem>>)
    %dma_wait3A_496 = arith.constant 15 : i32
    %dma_wait3A_497 = arith.constant 0 : i32
    %dma_wait3A_498 = tpu.memref_slice %arg13[%dma_wait3A_496, %dma_wait3A_497] : memref<16x128xf32, #tpu.memory_space<vmem>> -> memref<1x128xf32, #tpu.memory_space<vmem>>
    %dma_wait3A_499 = tpu.memref_squeeze %dma_wait3A_498 : memref<1x128xf32, #tpu.memory_space<vmem>> -> memref<128xf32, #tpu.memory_space<vmem>>
    %dma_wait3A_500 = arith.constant 1920 : i32
    %dma_wait3A_501 = tpu.memref_slice %arg11[%dma_wait3A_500] : memref<2048xi32, #tpu.memory_space<vmem>> -> memref<128xi32, #tpu.memory_space<vmem>>
    %dma_wait3A_502 = tpu.memref_slice %arg8[%multiple_of3A_44] : memref<204800xf32, #tpu.memory_space<vmem_shared>> -> memref<51200xf32, #tpu.memory_space<vmem_shared>>
    %dma_wait3A_503 = arith.constant 0 : i32
    %dma_wait3A_504 = tpu.memref_slice %dma_wait3A_502[%dma_wait3A_503] : memref<51200xf32, #tpu.memory_space<vmem_shared>> -> memref<51200xf32, #tpu.memory_space<vmem_shared>>
    tpu.wait_indirect_dma semaphore(%arg18 : memref<!tpu.dma_semaphore, #tpu.memory_space<semaphore_mem>>) src(%dma_wait3A_504 : memref<51200xf32, #tpu.memory_space<vmem_shared>>) dst(%dma_wait3A_499 : memref<128xf32, #tpu.memory_space<vmem>>)
    %dma_start3A_505 = arith.constant 8 : i32
    %dma_start3A_506 = arith.constant 8 : i32
    %dma_start3A_507 = arith.constant 0 : i32
    %dma_start3A_508 = tpu.memref_slice %arg13[%dma_start3A_505, %dma_start3A_507] : memref<16x128xf32, #tpu.memory_space<vmem>> -> memref<1x128xf32, #tpu.memory_space<vmem>>
    %dma_start3A_509 = tpu.memref_squeeze %dma_start3A_508 : memref<1x128xf32, #tpu.memory_space<vmem>> -> memref<128xf32, #tpu.memory_space<vmem>>
    %dma_start3A_510 = arith.constant 0 : i32
    %dma_start3A_511 = tpu.memref_slice %arg12[%dma_start3A_506, %dma_start3A_510] : memref<16x128xi32, #tpu.memory_space<vmem>> -> memref<1x128xi32, #tpu.memory_space<vmem>>
    %dma_start3A_512 = tpu.memref_squeeze %dma_start3A_511 : memref<1x128xi32, #tpu.memory_space<vmem>> -> memref<128xi32, #tpu.memory_space<vmem>>
    %dma_start3A_513 = tpu.memref_slice %arg9[%multiple_of3A_47] : memref<65536xf32, #tpu.memory_space<vmem_shared>> -> memref<16384xf32, #tpu.memory_space<vmem_shared>>
    %dma_start3A_514 = arith.constant 0 : i32
    %dma_start3A_515 = tpu.memref_slice %dma_start3A_513[%dma_start3A_514] : memref<16384xf32, #tpu.memory_space<vmem_shared>> -> memref<16384xf32, #tpu.memory_space<vmem_shared>>
    tpu.enqueue_indirect_dma source(%dma_start3A_509 : memref<128xf32, #tpu.memory_space<vmem>>) target(%dma_start3A_515 : memref<16384xf32, #tpu.memory_space<vmem_shared>>) offsets(%dma_start3A_512 : memref<128xi32, #tpu.memory_space<vmem>>) semaphore(%arg18 : memref<!tpu.dma_semaphore, #tpu.memory_space<semaphore_mem>>) {add = true}
    %dma_start3A_516 = arith.constant 9 : i32
    %dma_start3A_517 = arith.constant 9 : i32
    %dma_start3A_518 = arith.constant 0 : i32
    %dma_start3A_519 = tpu.memref_slice %arg13[%dma_start3A_516, %dma_start3A_518] : memref<16x128xf32, #tpu.memory_space<vmem>> -> memref<1x128xf32, #tpu.memory_space<vmem>>
    %dma_start3A_520 = tpu.memref_squeeze %dma_start3A_519 : memref<1x128xf32, #tpu.memory_space<vmem>> -> memref<128xf32, #tpu.memory_space<vmem>>
    %dma_start3A_521 = arith.constant 0 : i32
    %dma_start3A_522 = tpu.memref_slice %arg12[%dma_start3A_517, %dma_start3A_521] : memref<16x128xi32, #tpu.memory_space<vmem>> -> memref<1x128xi32, #tpu.memory_space<vmem>>
    %dma_start3A_523 = tpu.memref_squeeze %dma_start3A_522 : memref<1x128xi32, #tpu.memory_space<vmem>> -> memref<128xi32, #tpu.memory_space<vmem>>
    %dma_start3A_524 = tpu.memref_slice %arg9[%multiple_of3A_47] : memref<65536xf32, #tpu.memory_space<vmem_shared>> -> memref<16384xf32, #tpu.memory_space<vmem_shared>>
    %dma_start3A_525 = arith.constant 0 : i32
    %dma_start3A_526 = tpu.memref_slice %dma_start3A_524[%dma_start3A_525] : memref<16384xf32, #tpu.memory_space<vmem_shared>> -> memref<16384xf32, #tpu.memory_space<vmem_shared>>
    tpu.enqueue_indirect_dma source(%dma_start3A_520 : memref<128xf32, #tpu.memory_space<vmem>>) target(%dma_start3A_526 : memref<16384xf32, #tpu.memory_space<vmem_shared>>) offsets(%dma_start3A_523 : memref<128xi32, #tpu.memory_space<vmem>>) semaphore(%arg18 : memref<!tpu.dma_semaphore, #tpu.memory_space<semaphore_mem>>) {add = true}
    %dma_start3A_527 = arith.constant 10 : i32
    %dma_start3A_528 = arith.constant 10 : i32
    %dma_start3A_529 = arith.constant 0 : i32
    %dma_start3A_530 = tpu.memref_slice %arg13[%dma_start3A_527, %dma_start3A_529] : memref<16x128xf32, #tpu.memory_space<vmem>> -> memref<1x128xf32, #tpu.memory_space<vmem>>
    %dma_start3A_531 = tpu.memref_squeeze %dma_start3A_530 : memref<1x128xf32, #tpu.memory_space<vmem>> -> memref<128xf32, #tpu.memory_space<vmem>>
    %dma_start3A_532 = arith.constant 0 : i32
    %dma_start3A_533 = tpu.memref_slice %arg12[%dma_start3A_528, %dma_start3A_532] : memref<16x128xi32, #tpu.memory_space<vmem>> -> memref<1x128xi32, #tpu.memory_space<vmem>>
    %dma_start3A_534 = tpu.memref_squeeze %dma_start3A_533 : memref<1x128xi32, #tpu.memory_space<vmem>> -> memref<128xi32, #tpu.memory_space<vmem>>
    %dma_start3A_535 = tpu.memref_slice %arg9[%multiple_of3A_47] : memref<65536xf32, #tpu.memory_space<vmem_shared>> -> memref<16384xf32, #tpu.memory_space<vmem_shared>>
    %dma_start3A_536 = arith.constant 0 : i32
    %dma_start3A_537 = tpu.memref_slice %dma_start3A_535[%dma_start3A_536] : memref<16384xf32, #tpu.memory_space<vmem_shared>> -> memref<16384xf32, #tpu.memory_space<vmem_shared>>
    tpu.enqueue_indirect_dma source(%dma_start3A_531 : memref<128xf32, #tpu.memory_space<vmem>>) target(%dma_start3A_537 : memref<16384xf32, #tpu.memory_space<vmem_shared>>) offsets(%dma_start3A_534 : memref<128xi32, #tpu.memory_space<vmem>>) semaphore(%arg18 : memref<!tpu.dma_semaphore, #tpu.memory_space<semaphore_mem>>) {add = true}
    %dma_start3A_538 = arith.constant 11 : i32
    %dma_start3A_539 = arith.constant 11 : i32
    %dma_start3A_540 = arith.constant 0 : i32
    %dma_start3A_541 = tpu.memref_slice %arg13[%dma_start3A_538, %dma_start3A_540] : memref<16x128xf32, #tpu.memory_space<vmem>> -> memref<1x128xf32, #tpu.memory_space<vmem>>
    %dma_start3A_542 = tpu.memref_squeeze %dma_start3A_541 : memref<1x128xf32, #tpu.memory_space<vmem>> -> memref<128xf32, #tpu.memory_space<vmem>>
    %dma_start3A_543 = arith.constant 0 : i32
    %dma_start3A_544 = tpu.memref_slice %arg12[%dma_start3A_539, %dma_start3A_543] : memref<16x128xi32, #tpu.memory_space<vmem>> -> memref<1x128xi32, #tpu.memory_space<vmem>>
    %dma_start3A_545 = tpu.memref_squeeze %dma_start3A_544 : memref<1x128xi32, #tpu.memory_space<vmem>> -> memref<128xi32, #tpu.memory_space<vmem>>
    %dma_start3A_546 = tpu.memref_slice %arg9[%multiple_of3A_47] : memref<65536xf32, #tpu.memory_space<vmem_shared>> -> memref<16384xf32, #tpu.memory_space<vmem_shared>>
    %dma_start3A_547 = arith.constant 0 : i32
    %dma_start3A_548 = tpu.memref_slice %dma_start3A_546[%dma_start3A_547] : memref<16384xf32, #tpu.memory_space<vmem_shared>> -> memref<16384xf32, #tpu.memory_space<vmem_shared>>
    tpu.enqueue_indirect_dma source(%dma_start3A_542 : memref<128xf32, #tpu.memory_space<vmem>>) target(%dma_start3A_548 : memref<16384xf32, #tpu.memory_space<vmem_shared>>) offsets(%dma_start3A_545 : memref<128xi32, #tpu.memory_space<vmem>>) semaphore(%arg18 : memref<!tpu.dma_semaphore, #tpu.memory_space<semaphore_mem>>) {add = true}
    %dma_start3A_549 = arith.constant 12 : i32
    %dma_start3A_550 = arith.constant 12 : i32
    %dma_start3A_551 = arith.constant 0 : i32
    %dma_start3A_552 = tpu.memref_slice %arg13[%dma_start3A_549, %dma_start3A_551] : memref<16x128xf32, #tpu.memory_space<vmem>> -> memref<1x128xf32, #tpu.memory_space<vmem>>
    %dma_start3A_553 = tpu.memref_squeeze %dma_start3A_552 : memref<1x128xf32, #tpu.memory_space<vmem>> -> memref<128xf32, #tpu.memory_space<vmem>>
    %dma_start3A_554 = arith.constant 0 : i32
    %dma_start3A_555 = tpu.memref_slice %arg12[%dma_start3A_550, %dma_start3A_554] : memref<16x128xi32, #tpu.memory_space<vmem>> -> memref<1x128xi32, #tpu.memory_space<vmem>>
    %dma_start3A_556 = tpu.memref_squeeze %dma_start3A_555 : memref<1x128xi32, #tpu.memory_space<vmem>> -> memref<128xi32, #tpu.memory_space<vmem>>
    %dma_start3A_557 = tpu.memref_slice %arg9[%multiple_of3A_47] : memref<65536xf32, #tpu.memory_space<vmem_shared>> -> memref<16384xf32, #tpu.memory_space<vmem_shared>>
    %dma_start3A_558 = arith.constant 0 : i32
    %dma_start3A_559 = tpu.memref_slice %dma_start3A_557[%dma_start3A_558] : memref<16384xf32, #tpu.memory_space<vmem_shared>> -> memref<16384xf32, #tpu.memory_space<vmem_shared>>
    tpu.enqueue_indirect_dma source(%dma_start3A_553 : memref<128xf32, #tpu.memory_space<vmem>>) target(%dma_start3A_559 : memref<16384xf32, #tpu.memory_space<vmem_shared>>) offsets(%dma_start3A_556 : memref<128xi32, #tpu.memory_space<vmem>>) semaphore(%arg18 : memref<!tpu.dma_semaphore, #tpu.memory_space<semaphore_mem>>) {add = true}
    %dma_start3A_560 = arith.constant 13 : i32
    %dma_start3A_561 = arith.constant 13 : i32
    %dma_start3A_562 = arith.constant 0 : i32
    %dma_start3A_563 = tpu.memref_slice %arg13[%dma_start3A_560, %dma_start3A_562] : memref<16x128xf32, #tpu.memory_space<vmem>> -> memref<1x128xf32, #tpu.memory_space<vmem>>
    %dma_start3A_564 = tpu.memref_squeeze %dma_start3A_563 : memref<1x128xf32, #tpu.memory_space<vmem>> -> memref<128xf32, #tpu.memory_space<vmem>>
    %dma_start3A_565 = arith.constant 0 : i32
    %dma_start3A_566 = tpu.memref_slice %arg12[%dma_start3A_561, %dma_start3A_565] : memref<16x128xi32, #tpu.memory_space<vmem>> -> memref<1x128xi32, #tpu.memory_space<vmem>>
    %dma_start3A_567 = tpu.memref_squeeze %dma_start3A_566 : memref<1x128xi32, #tpu.memory_space<vmem>> -> memref<128xi32, #tpu.memory_space<vmem>>
    %dma_start3A_568 = tpu.memref_slice %arg9[%multiple_of3A_47] : memref<65536xf32, #tpu.memory_space<vmem_shared>> -> memref<16384xf32, #tpu.memory_space<vmem_shared>>
    %dma_start3A_569 = arith.constant 0 : i32
    %dma_start3A_570 = tpu.memref_slice %dma_start3A_568[%dma_start3A_569] : memref<16384xf32, #tpu.memory_space<vmem_shared>> -> memref<16384xf32, #tpu.memory_space<vmem_shared>>
    tpu.enqueue_indirect_dma source(%dma_start3A_564 : memref<128xf32, #tpu.memory_space<vmem>>) target(%dma_start3A_570 : memref<16384xf32, #tpu.memory_space<vmem_shared>>) offsets(%dma_start3A_567 : memref<128xi32, #tpu.memory_space<vmem>>) semaphore(%arg18 : memref<!tpu.dma_semaphore, #tpu.memory_space<semaphore_mem>>) {add = true}
    %dma_start3A_571 = arith.constant 14 : i32
    %dma_start3A_572 = arith.constant 14 : i32
    %dma_start3A_573 = arith.constant 0 : i32
    %dma_start3A_574 = tpu.memref_slice %arg13[%dma_start3A_571, %dma_start3A_573] : memref<16x128xf32, #tpu.memory_space<vmem>> -> memref<1x128xf32, #tpu.memory_space<vmem>>
    %dma_start3A_575 = tpu.memref_squeeze %dma_start3A_574 : memref<1x128xf32, #tpu.memory_space<vmem>> -> memref<128xf32, #tpu.memory_space<vmem>>
    %dma_start3A_576 = arith.constant 0 : i32
    %dma_start3A_577 = tpu.memref_slice %arg12[%dma_start3A_572, %dma_start3A_576] : memref<16x128xi32, #tpu.memory_space<vmem>> -> memref<1x128xi32, #tpu.memory_space<vmem>>
    %dma_start3A_578 = tpu.memref_squeeze %dma_start3A_577 : memref<1x128xi32, #tpu.memory_space<vmem>> -> memref<128xi32, #tpu.memory_space<vmem>>
    %dma_start3A_579 = tpu.memref_slice %arg9[%multiple_of3A_47] : memref<65536xf32, #tpu.memory_space<vmem_shared>> -> memref<16384xf32, #tpu.memory_space<vmem_shared>>
    %dma_start3A_580 = arith.constant 0 : i32
    %dma_start3A_581 = tpu.memref_slice %dma_start3A_579[%dma_start3A_580] : memref<16384xf32, #tpu.memory_space<vmem_shared>> -> memref<16384xf32, #tpu.memory_space<vmem_shared>>
    tpu.enqueue_indirect_dma source(%dma_start3A_575 : memref<128xf32, #tpu.memory_space<vmem>>) target(%dma_start3A_581 : memref<16384xf32, #tpu.memory_space<vmem_shared>>) offsets(%dma_start3A_578 : memref<128xi32, #tpu.memory_space<vmem>>) semaphore(%arg18 : memref<!tpu.dma_semaphore, #tpu.memory_space<semaphore_mem>>) {add = true}
    %dma_start3A_582 = arith.constant 15 : i32
    %dma_start3A_583 = arith.constant 15 : i32
    %dma_start3A_584 = arith.constant 0 : i32
    %dma_start3A_585 = tpu.memref_slice %arg13[%dma_start3A_582, %dma_start3A_584] : memref<16x128xf32, #tpu.memory_space<vmem>> -> memref<1x128xf32, #tpu.memory_space<vmem>>
    %dma_start3A_586 = tpu.memref_squeeze %dma_start3A_585 : memref<1x128xf32, #tpu.memory_space<vmem>> -> memref<128xf32, #tpu.memory_space<vmem>>
    %dma_start3A_587 = arith.constant 0 : i32
    %dma_start3A_588 = tpu.memref_slice %arg12[%dma_start3A_583, %dma_start3A_587] : memref<16x128xi32, #tpu.memory_space<vmem>> -> memref<1x128xi32, #tpu.memory_space<vmem>>
    %dma_start3A_589 = tpu.memref_squeeze %dma_start3A_588 : memref<1x128xi32, #tpu.memory_space<vmem>> -> memref<128xi32, #tpu.memory_space<vmem>>
    %dma_start3A_590 = tpu.memref_slice %arg9[%multiple_of3A_47] : memref<65536xf32, #tpu.memory_space<vmem_shared>> -> memref<16384xf32, #tpu.memory_space<vmem_shared>>
    %dma_start3A_591 = arith.constant 0 : i32
    %dma_start3A_592 = tpu.memref_slice %dma_start3A_590[%dma_start3A_591] : memref<16384xf32, #tpu.memory_space<vmem_shared>> -> memref<16384xf32, #tpu.memory_space<vmem_shared>>
    tpu.enqueue_indirect_dma source(%dma_start3A_586 : memref<128xf32, #tpu.memory_space<vmem>>) target(%dma_start3A_592 : memref<16384xf32, #tpu.memory_space<vmem_shared>>) offsets(%dma_start3A_589 : memref<128xi32, #tpu.memory_space<vmem>>) semaphore(%arg18 : memref<!tpu.dma_semaphore, #tpu.memory_space<semaphore_mem>>) {add = true}
    %dma_wait3A_593 = arith.constant 0 : i32
    %dma_wait3A_594 = arith.constant 0 : i32
    %dma_wait3A_595 = arith.constant 0 : i32
    %dma_wait3A_596 = tpu.memref_slice %arg13[%dma_wait3A_593, %dma_wait3A_595] : memref<16x128xf32, #tpu.memory_space<vmem>> -> memref<1x128xf32, #tpu.memory_space<vmem>>
    %dma_wait3A_597 = tpu.memref_squeeze %dma_wait3A_596 : memref<1x128xf32, #tpu.memory_space<vmem>> -> memref<128xf32, #tpu.memory_space<vmem>>
    %dma_wait3A_598 = arith.constant 0 : i32
    %dma_wait3A_599 = tpu.memref_slice %arg12[%dma_wait3A_594, %dma_wait3A_598] : memref<16x128xi32, #tpu.memory_space<vmem>> -> memref<1x128xi32, #tpu.memory_space<vmem>>
    %dma_wait3A_600 = tpu.memref_squeeze %dma_wait3A_599 : memref<1x128xi32, #tpu.memory_space<vmem>> -> memref<128xi32, #tpu.memory_space<vmem>>
    %dma_wait3A_601 = tpu.memref_slice %arg9[%multiple_of3A_47] : memref<65536xf32, #tpu.memory_space<vmem_shared>> -> memref<16384xf32, #tpu.memory_space<vmem_shared>>
    %dma_wait3A_602 = arith.constant 0 : i32
    %dma_wait3A_603 = tpu.memref_slice %dma_wait3A_601[%dma_wait3A_602] : memref<16384xf32, #tpu.memory_space<vmem_shared>> -> memref<16384xf32, #tpu.memory_space<vmem_shared>>
    tpu.wait_indirect_dma semaphore(%arg17 : memref<!tpu.dma_semaphore, #tpu.memory_space<semaphore_mem>>) src(%dma_wait3A_597 : memref<128xf32, #tpu.memory_space<vmem>>) dst(%dma_wait3A_603 : memref<16384xf32, #tpu.memory_space<vmem_shared>>)
    %dma_wait3A_604 = arith.constant 1 : i32
    %dma_wait3A_605 = arith.constant 1 : i32
    %dma_wait3A_606 = arith.constant 0 : i32
    %dma_wait3A_607 = tpu.memref_slice %arg13[%dma_wait3A_604, %dma_wait3A_606] : memref<16x128xf32, #tpu.memory_space<vmem>> -> memref<1x128xf32, #tpu.memory_space<vmem>>
    %dma_wait3A_608 = tpu.memref_squeeze %dma_wait3A_607 : memref<1x128xf32, #tpu.memory_space<vmem>> -> memref<128xf32, #tpu.memory_space<vmem>>
    %dma_wait3A_609 = arith.constant 0 : i32
    %dma_wait3A_610 = tpu.memref_slice %arg12[%dma_wait3A_605, %dma_wait3A_609] : memref<16x128xi32, #tpu.memory_space<vmem>> -> memref<1x128xi32, #tpu.memory_space<vmem>>
    %dma_wait3A_611 = tpu.memref_squeeze %dma_wait3A_610 : memref<1x128xi32, #tpu.memory_space<vmem>> -> memref<128xi32, #tpu.memory_space<vmem>>
    %dma_wait3A_612 = tpu.memref_slice %arg9[%multiple_of3A_47] : memref<65536xf32, #tpu.memory_space<vmem_shared>> -> memref<16384xf32, #tpu.memory_space<vmem_shared>>
    %dma_wait3A_613 = arith.constant 0 : i32
    %dma_wait3A_614 = tpu.memref_slice %dma_wait3A_612[%dma_wait3A_613] : memref<16384xf32, #tpu.memory_space<vmem_shared>> -> memref<16384xf32, #tpu.memory_space<vmem_shared>>
    tpu.wait_indirect_dma semaphore(%arg17 : memref<!tpu.dma_semaphore, #tpu.memory_space<semaphore_mem>>) src(%dma_wait3A_608 : memref<128xf32, #tpu.memory_space<vmem>>) dst(%dma_wait3A_614 : memref<16384xf32, #tpu.memory_space<vmem_shared>>)
    %dma_wait3A_615 = arith.constant 2 : i32
    %dma_wait3A_616 = arith.constant 2 : i32
    %dma_wait3A_617 = arith.constant 0 : i32
    %dma_wait3A_618 = tpu.memref_slice %arg13[%dma_wait3A_615, %dma_wait3A_617] : memref<16x128xf32, #tpu.memory_space<vmem>> -> memref<1x128xf32, #tpu.memory_space<vmem>>
    %dma_wait3A_619 = tpu.memref_squeeze %dma_wait3A_618 : memref<1x128xf32, #tpu.memory_space<vmem>> -> memref<128xf32, #tpu.memory_space<vmem>>
    %dma_wait3A_620 = arith.constant 0 : i32
    %dma_wait3A_621 = tpu.memref_slice %arg12[%dma_wait3A_616, %dma_wait3A_620] : memref<16x128xi32, #tpu.memory_space<vmem>> -> memref<1x128xi32, #tpu.memory_space<vmem>>
    %dma_wait3A_622 = tpu.memref_squeeze %dma_wait3A_621 : memref<1x128xi32, #tpu.memory_space<vmem>> -> memref<128xi32, #tpu.memory_space<vmem>>
    %dma_wait3A_623 = tpu.memref_slice %arg9[%multiple_of3A_47] : memref<65536xf32, #tpu.memory_space<vmem_shared>> -> memref<16384xf32, #tpu.memory_space<vmem_shared>>
    %dma_wait3A_624 = arith.constant 0 : i32
    %dma_wait3A_625 = tpu.memref_slice %dma_wait3A_623[%dma_wait3A_624] : memref<16384xf32, #tpu.memory_space<vmem_shared>> -> memref<16384xf32, #tpu.memory_space<vmem_shared>>
    tpu.wait_indirect_dma semaphore(%arg17 : memref<!tpu.dma_semaphore, #tpu.memory_space<semaphore_mem>>) src(%dma_wait3A_619 : memref<128xf32, #tpu.memory_space<vmem>>) dst(%dma_wait3A_625 : memref<16384xf32, #tpu.memory_space<vmem_shared>>)
    %dma_wait3A_626 = arith.constant 3 : i32
    %dma_wait3A_627 = arith.constant 3 : i32
    %dma_wait3A_628 = arith.constant 0 : i32
    %dma_wait3A_629 = tpu.memref_slice %arg13[%dma_wait3A_626, %dma_wait3A_628] : memref<16x128xf32, #tpu.memory_space<vmem>> -> memref<1x128xf32, #tpu.memory_space<vmem>>
    %dma_wait3A_630 = tpu.memref_squeeze %dma_wait3A_629 : memref<1x128xf32, #tpu.memory_space<vmem>> -> memref<128xf32, #tpu.memory_space<vmem>>
    %dma_wait3A_631 = arith.constant 0 : i32
    %dma_wait3A_632 = tpu.memref_slice %arg12[%dma_wait3A_627, %dma_wait3A_631] : memref<16x128xi32, #tpu.memory_space<vmem>> -> memref<1x128xi32, #tpu.memory_space<vmem>>
    %dma_wait3A_633 = tpu.memref_squeeze %dma_wait3A_632 : memref<1x128xi32, #tpu.memory_space<vmem>> -> memref<128xi32, #tpu.memory_space<vmem>>
    %dma_wait3A_634 = tpu.memref_slice %arg9[%multiple_of3A_47] : memref<65536xf32, #tpu.memory_space<vmem_shared>> -> memref<16384xf32, #tpu.memory_space<vmem_shared>>
    %dma_wait3A_635 = arith.constant 0 : i32
    %dma_wait3A_636 = tpu.memref_slice %dma_wait3A_634[%dma_wait3A_635] : memref<16384xf32, #tpu.memory_space<vmem_shared>> -> memref<16384xf32, #tpu.memory_space<vmem_shared>>
    tpu.wait_indirect_dma semaphore(%arg17 : memref<!tpu.dma_semaphore, #tpu.memory_space<semaphore_mem>>) src(%dma_wait3A_630 : memref<128xf32, #tpu.memory_space<vmem>>) dst(%dma_wait3A_636 : memref<16384xf32, #tpu.memory_space<vmem_shared>>)
    %dma_wait3A_637 = arith.constant 4 : i32
    %dma_wait3A_638 = arith.constant 4 : i32
    %dma_wait3A_639 = arith.constant 0 : i32
    %dma_wait3A_640 = tpu.memref_slice %arg13[%dma_wait3A_637, %dma_wait3A_639] : memref<16x128xf32, #tpu.memory_space<vmem>> -> memref<1x128xf32, #tpu.memory_space<vmem>>
    %dma_wait3A_641 = tpu.memref_squeeze %dma_wait3A_640 : memref<1x128xf32, #tpu.memory_space<vmem>> -> memref<128xf32, #tpu.memory_space<vmem>>
    %dma_wait3A_642 = arith.constant 0 : i32
    %dma_wait3A_643 = tpu.memref_slice %arg12[%dma_wait3A_638, %dma_wait3A_642] : memref<16x128xi32, #tpu.memory_space<vmem>> -> memref<1x128xi32, #tpu.memory_space<vmem>>
    %dma_wait3A_644 = tpu.memref_squeeze %dma_wait3A_643 : memref<1x128xi32, #tpu.memory_space<vmem>> -> memref<128xi32, #tpu.memory_space<vmem>>
    %dma_wait3A_645 = tpu.memref_slice %arg9[%multiple_of3A_47] : memref<65536xf32, #tpu.memory_space<vmem_shared>> -> memref<16384xf32, #tpu.memory_space<vmem_shared>>
    %dma_wait3A_646 = arith.constant 0 : i32
    %dma_wait3A_647 = tpu.memref_slice %dma_wait3A_645[%dma_wait3A_646] : memref<16384xf32, #tpu.memory_space<vmem_shared>> -> memref<16384xf32, #tpu.memory_space<vmem_shared>>
    tpu.wait_indirect_dma semaphore(%arg17 : memref<!tpu.dma_semaphore, #tpu.memory_space<semaphore_mem>>) src(%dma_wait3A_641 : memref<128xf32, #tpu.memory_space<vmem>>) dst(%dma_wait3A_647 : memref<16384xf32, #tpu.memory_space<vmem_shared>>)
    %dma_wait3A_648 = arith.constant 5 : i32
    %dma_wait3A_649 = arith.constant 5 : i32
    %dma_wait3A_650 = arith.constant 0 : i32
    %dma_wait3A_651 = tpu.memref_slice %arg13[%dma_wait3A_648, %dma_wait3A_650] : memref<16x128xf32, #tpu.memory_space<vmem>> -> memref<1x128xf32, #tpu.memory_space<vmem>>
    %dma_wait3A_652 = tpu.memref_squeeze %dma_wait3A_651 : memref<1x128xf32, #tpu.memory_space<vmem>> -> memref<128xf32, #tpu.memory_space<vmem>>
    %dma_wait3A_653 = arith.constant 0 : i32
    %dma_wait3A_654 = tpu.memref_slice %arg12[%dma_wait3A_649, %dma_wait3A_653] : memref<16x128xi32, #tpu.memory_space<vmem>> -> memref<1x128xi32, #tpu.memory_space<vmem>>
    %dma_wait3A_655 = tpu.memref_squeeze %dma_wait3A_654 : memref<1x128xi32, #tpu.memory_space<vmem>> -> memref<128xi32, #tpu.memory_space<vmem>>
    %dma_wait3A_656 = tpu.memref_slice %arg9[%multiple_of3A_47] : memref<65536xf32, #tpu.memory_space<vmem_shared>> -> memref<16384xf32, #tpu.memory_space<vmem_shared>>
    %dma_wait3A_657 = arith.constant 0 : i32
    %dma_wait3A_658 = tpu.memref_slice %dma_wait3A_656[%dma_wait3A_657] : memref<16384xf32, #tpu.memory_space<vmem_shared>> -> memref<16384xf32, #tpu.memory_space<vmem_shared>>
    tpu.wait_indirect_dma semaphore(%arg17 : memref<!tpu.dma_semaphore, #tpu.memory_space<semaphore_mem>>) src(%dma_wait3A_652 : memref<128xf32, #tpu.memory_space<vmem>>) dst(%dma_wait3A_658 : memref<16384xf32, #tpu.memory_space<vmem_shared>>)
    %dma_wait3A_659 = arith.constant 6 : i32
    %dma_wait3A_660 = arith.constant 6 : i32
    %dma_wait3A_661 = arith.constant 0 : i32
    %dma_wait3A_662 = tpu.memref_slice %arg13[%dma_wait3A_659, %dma_wait3A_661] : memref<16x128xf32, #tpu.memory_space<vmem>> -> memref<1x128xf32, #tpu.memory_space<vmem>>
    %dma_wait3A_663 = tpu.memref_squeeze %dma_wait3A_662 : memref<1x128xf32, #tpu.memory_space<vmem>> -> memref<128xf32, #tpu.memory_space<vmem>>
    %dma_wait3A_664 = arith.constant 0 : i32
    %dma_wait3A_665 = tpu.memref_slice %arg12[%dma_wait3A_660, %dma_wait3A_664] : memref<16x128xi32, #tpu.memory_space<vmem>> -> memref<1x128xi32, #tpu.memory_space<vmem>>
    %dma_wait3A_666 = tpu.memref_squeeze %dma_wait3A_665 : memref<1x128xi32, #tpu.memory_space<vmem>> -> memref<128xi32, #tpu.memory_space<vmem>>
    %dma_wait3A_667 = tpu.memref_slice %arg9[%multiple_of3A_47] : memref<65536xf32, #tpu.memory_space<vmem_shared>> -> memref<16384xf32, #tpu.memory_space<vmem_shared>>
    %dma_wait3A_668 = arith.constant 0 : i32
    %dma_wait3A_669 = tpu.memref_slice %dma_wait3A_667[%dma_wait3A_668] : memref<16384xf32, #tpu.memory_space<vmem_shared>> -> memref<16384xf32, #tpu.memory_space<vmem_shared>>
    tpu.wait_indirect_dma semaphore(%arg17 : memref<!tpu.dma_semaphore, #tpu.memory_space<semaphore_mem>>) src(%dma_wait3A_663 : memref<128xf32, #tpu.memory_space<vmem>>) dst(%dma_wait3A_669 : memref<16384xf32, #tpu.memory_space<vmem_shared>>)
    %dma_wait3A_670 = arith.constant 7 : i32
    %dma_wait3A_671 = arith.constant 7 : i32
    %dma_wait3A_672 = arith.constant 0 : i32
    %dma_wait3A_673 = tpu.memref_slice %arg13[%dma_wait3A_670, %dma_wait3A_672] : memref<16x128xf32, #tpu.memory_space<vmem>> -> memref<1x128xf32, #tpu.memory_space<vmem>>
    %dma_wait3A_674 = tpu.memref_squeeze %dma_wait3A_673 : memref<1x128xf32, #tpu.memory_space<vmem>> -> memref<128xf32, #tpu.memory_space<vmem>>
    %dma_wait3A_675 = arith.constant 0 : i32
    %dma_wait3A_676 = tpu.memref_slice %arg12[%dma_wait3A_671, %dma_wait3A_675] : memref<16x128xi32, #tpu.memory_space<vmem>> -> memref<1x128xi32, #tpu.memory_space<vmem>>
    %dma_wait3A_677 = tpu.memref_squeeze %dma_wait3A_676 : memref<1x128xi32, #tpu.memory_space<vmem>> -> memref<128xi32, #tpu.memory_space<vmem>>
    %dma_wait3A_678 = tpu.memref_slice %arg9[%multiple_of3A_47] : memref<65536xf32, #tpu.memory_space<vmem_shared>> -> memref<16384xf32, #tpu.memory_space<vmem_shared>>
    %dma_wait3A_679 = arith.constant 0 : i32
    %dma_wait3A_680 = tpu.memref_slice %dma_wait3A_678[%dma_wait3A_679] : memref<16384xf32, #tpu.memory_space<vmem_shared>> -> memref<16384xf32, #tpu.memory_space<vmem_shared>>
    tpu.wait_indirect_dma semaphore(%arg17 : memref<!tpu.dma_semaphore, #tpu.memory_space<semaphore_mem>>) src(%dma_wait3A_674 : memref<128xf32, #tpu.memory_space<vmem>>) dst(%dma_wait3A_680 : memref<16384xf32, #tpu.memory_space<vmem_shared>>)
    %dma_wait3A_681 = arith.constant 8 : i32
    %dma_wait3A_682 = arith.constant 8 : i32
    %dma_wait3A_683 = arith.constant 0 : i32
    %dma_wait3A_684 = tpu.memref_slice %arg13[%dma_wait3A_681, %dma_wait3A_683] : memref<16x128xf32, #tpu.memory_space<vmem>> -> memref<1x128xf32, #tpu.memory_space<vmem>>
    %dma_wait3A_685 = tpu.memref_squeeze %dma_wait3A_684 : memref<1x128xf32, #tpu.memory_space<vmem>> -> memref<128xf32, #tpu.memory_space<vmem>>
    %dma_wait3A_686 = arith.constant 0 : i32
    %dma_wait3A_687 = tpu.memref_slice %arg12[%dma_wait3A_682, %dma_wait3A_686] : memref<16x128xi32, #tpu.memory_space<vmem>> -> memref<1x128xi32, #tpu.memory_space<vmem>>
    %dma_wait3A_688 = tpu.memref_squeeze %dma_wait3A_687 : memref<1x128xi32, #tpu.memory_space<vmem>> -> memref<128xi32, #tpu.memory_space<vmem>>
    %dma_wait3A_689 = tpu.memref_slice %arg9[%multiple_of3A_47] : memref<65536xf32, #tpu.memory_space<vmem_shared>> -> memref<16384xf32, #tpu.memory_space<vmem_shared>>
    %dma_wait3A_690 = arith.constant 0 : i32
    %dma_wait3A_691 = tpu.memref_slice %dma_wait3A_689[%dma_wait3A_690] : memref<16384xf32, #tpu.memory_space<vmem_shared>> -> memref<16384xf32, #tpu.memory_space<vmem_shared>>
    tpu.wait_indirect_dma semaphore(%arg18 : memref<!tpu.dma_semaphore, #tpu.memory_space<semaphore_mem>>) src(%dma_wait3A_685 : memref<128xf32, #tpu.memory_space<vmem>>) dst(%dma_wait3A_691 : memref<16384xf32, #tpu.memory_space<vmem_shared>>)
    %dma_wait3A_692 = arith.constant 9 : i32
    %dma_wait3A_693 = arith.constant 9 : i32
    %dma_wait3A_694 = arith.constant 0 : i32
    %dma_wait3A_695 = tpu.memref_slice %arg13[%dma_wait3A_692, %dma_wait3A_694] : memref<16x128xf32, #tpu.memory_space<vmem>> -> memref<1x128xf32, #tpu.memory_space<vmem>>
    %dma_wait3A_696 = tpu.memref_squeeze %dma_wait3A_695 : memref<1x128xf32, #tpu.memory_space<vmem>> -> memref<128xf32, #tpu.memory_space<vmem>>
    %dma_wait3A_697 = arith.constant 0 : i32
    %dma_wait3A_698 = tpu.memref_slice %arg12[%dma_wait3A_693, %dma_wait3A_697] : memref<16x128xi32, #tpu.memory_space<vmem>> -> memref<1x128xi32, #tpu.memory_space<vmem>>
    %dma_wait3A_699 = tpu.memref_squeeze %dma_wait3A_698 : memref<1x128xi32, #tpu.memory_space<vmem>> -> memref<128xi32, #tpu.memory_space<vmem>>
    %dma_wait3A_700 = tpu.memref_slice %arg9[%multiple_of3A_47] : memref<65536xf32, #tpu.memory_space<vmem_shared>> -> memref<16384xf32, #tpu.memory_space<vmem_shared>>
    %dma_wait3A_701 = arith.constant 0 : i32
    %dma_wait3A_702 = tpu.memref_slice %dma_wait3A_700[%dma_wait3A_701] : memref<16384xf32, #tpu.memory_space<vmem_shared>> -> memref<16384xf32, #tpu.memory_space<vmem_shared>>
    tpu.wait_indirect_dma semaphore(%arg18 : memref<!tpu.dma_semaphore, #tpu.memory_space<semaphore_mem>>) src(%dma_wait3A_696 : memref<128xf32, #tpu.memory_space<vmem>>) dst(%dma_wait3A_702 : memref<16384xf32, #tpu.memory_space<vmem_shared>>)
    %dma_wait3A_703 = arith.constant 10 : i32
    %dma_wait3A_704 = arith.constant 10 : i32
    %dma_wait3A_705 = arith.constant 0 : i32
    %dma_wait3A_706 = tpu.memref_slice %arg13[%dma_wait3A_703, %dma_wait3A_705] : memref<16x128xf32, #tpu.memory_space<vmem>> -> memref<1x128xf32, #tpu.memory_space<vmem>>
    %dma_wait3A_707 = tpu.memref_squeeze %dma_wait3A_706 : memref<1x128xf32, #tpu.memory_space<vmem>> -> memref<128xf32, #tpu.memory_space<vmem>>
    %dma_wait3A_708 = arith.constant 0 : i32
    %dma_wait3A_709 = tpu.memref_slice %arg12[%dma_wait3A_704, %dma_wait3A_708] : memref<16x128xi32, #tpu.memory_space<vmem>> -> memref<1x128xi32, #tpu.memory_space<vmem>>
    %dma_wait3A_710 = tpu.memref_squeeze %dma_wait3A_709 : memref<1x128xi32, #tpu.memory_space<vmem>> -> memref<128xi32, #tpu.memory_space<vmem>>
    %dma_wait3A_711 = tpu.memref_slice %arg9[%multiple_of3A_47] : memref<65536xf32, #tpu.memory_space<vmem_shared>> -> memref<16384xf32, #tpu.memory_space<vmem_shared>>
    %dma_wait3A_712 = arith.constant 0 : i32
    %dma_wait3A_713 = tpu.memref_slice %dma_wait3A_711[%dma_wait3A_712] : memref<16384xf32, #tpu.memory_space<vmem_shared>> -> memref<16384xf32, #tpu.memory_space<vmem_shared>>
    tpu.wait_indirect_dma semaphore(%arg18 : memref<!tpu.dma_semaphore, #tpu.memory_space<semaphore_mem>>) src(%dma_wait3A_707 : memref<128xf32, #tpu.memory_space<vmem>>) dst(%dma_wait3A_713 : memref<16384xf32, #tpu.memory_space<vmem_shared>>)
    %dma_wait3A_714 = arith.constant 11 : i32
    %dma_wait3A_715 = arith.constant 11 : i32
    %dma_wait3A_716 = arith.constant 0 : i32
    %dma_wait3A_717 = tpu.memref_slice %arg13[%dma_wait3A_714, %dma_wait3A_716] : memref<16x128xf32, #tpu.memory_space<vmem>> -> memref<1x128xf32, #tpu.memory_space<vmem>>
    %dma_wait3A_718 = tpu.memref_squeeze %dma_wait3A_717 : memref<1x128xf32, #tpu.memory_space<vmem>> -> memref<128xf32, #tpu.memory_space<vmem>>
    %dma_wait3A_719 = arith.constant 0 : i32
    %dma_wait3A_720 = tpu.memref_slice %arg12[%dma_wait3A_715, %dma_wait3A_719] : memref<16x128xi32, #tpu.memory_space<vmem>> -> memref<1x128xi32, #tpu.memory_space<vmem>>
    %dma_wait3A_721 = tpu.memref_squeeze %dma_wait3A_720 : memref<1x128xi32, #tpu.memory_space<vmem>> -> memref<128xi32, #tpu.memory_space<vmem>>
    %dma_wait3A_722 = tpu.memref_slice %arg9[%multiple_of3A_47] : memref<65536xf32, #tpu.memory_space<vmem_shared>> -> memref<16384xf32, #tpu.memory_space<vmem_shared>>
    %dma_wait3A_723 = arith.constant 0 : i32
    %dma_wait3A_724 = tpu.memref_slice %dma_wait3A_722[%dma_wait3A_723] : memref<16384xf32, #tpu.memory_space<vmem_shared>> -> memref<16384xf32, #tpu.memory_space<vmem_shared>>
    tpu.wait_indirect_dma semaphore(%arg18 : memref<!tpu.dma_semaphore, #tpu.memory_space<semaphore_mem>>) src(%dma_wait3A_718 : memref<128xf32, #tpu.memory_space<vmem>>) dst(%dma_wait3A_724 : memref<16384xf32, #tpu.memory_space<vmem_shared>>)
    %dma_wait3A_725 = arith.constant 12 : i32
    %dma_wait3A_726 = arith.constant 12 : i32
    %dma_wait3A_727 = arith.constant 0 : i32
    %dma_wait3A_728 = tpu.memref_slice %arg13[%dma_wait3A_725, %dma_wait3A_727] : memref<16x128xf32, #tpu.memory_space<vmem>> -> memref<1x128xf32, #tpu.memory_space<vmem>>
    %dma_wait3A_729 = tpu.memref_squeeze %dma_wait3A_728 : memref<1x128xf32, #tpu.memory_space<vmem>> -> memref<128xf32, #tpu.memory_space<vmem>>
    %dma_wait3A_730 = arith.constant 0 : i32
    %dma_wait3A_731 = tpu.memref_slice %arg12[%dma_wait3A_726, %dma_wait3A_730] : memref<16x128xi32, #tpu.memory_space<vmem>> -> memref<1x128xi32, #tpu.memory_space<vmem>>
    %dma_wait3A_732 = tpu.memref_squeeze %dma_wait3A_731 : memref<1x128xi32, #tpu.memory_space<vmem>> -> memref<128xi32, #tpu.memory_space<vmem>>
    %dma_wait3A_733 = tpu.memref_slice %arg9[%multiple_of3A_47] : memref<65536xf32, #tpu.memory_space<vmem_shared>> -> memref<16384xf32, #tpu.memory_space<vmem_shared>>
    %dma_wait3A_734 = arith.constant 0 : i32
    %dma_wait3A_735 = tpu.memref_slice %dma_wait3A_733[%dma_wait3A_734] : memref<16384xf32, #tpu.memory_space<vmem_shared>> -> memref<16384xf32, #tpu.memory_space<vmem_shared>>
    tpu.wait_indirect_dma semaphore(%arg18 : memref<!tpu.dma_semaphore, #tpu.memory_space<semaphore_mem>>) src(%dma_wait3A_729 : memref<128xf32, #tpu.memory_space<vmem>>) dst(%dma_wait3A_735 : memref<16384xf32, #tpu.memory_space<vmem_shared>>)
    %dma_wait3A_736 = arith.constant 13 : i32
    %dma_wait3A_737 = arith.constant 13 : i32
    %dma_wait3A_738 = arith.constant 0 : i32
    %dma_wait3A_739 = tpu.memref_slice %arg13[%dma_wait3A_736, %dma_wait3A_738] : memref<16x128xf32, #tpu.memory_space<vmem>> -> memref<1x128xf32, #tpu.memory_space<vmem>>
    %dma_wait3A_740 = tpu.memref_squeeze %dma_wait3A_739 : memref<1x128xf32, #tpu.memory_space<vmem>> -> memref<128xf32, #tpu.memory_space<vmem>>
    %dma_wait3A_741 = arith.constant 0 : i32
    %dma_wait3A_742 = tpu.memref_slice %arg12[%dma_wait3A_737, %dma_wait3A_741] : memref<16x128xi32, #tpu.memory_space<vmem>> -> memref<1x128xi32, #tpu.memory_space<vmem>>
    %dma_wait3A_743 = tpu.memref_squeeze %dma_wait3A_742 : memref<1x128xi32, #tpu.memory_space<vmem>> -> memref<128xi32, #tpu.memory_space<vmem>>
    %dma_wait3A_744 = tpu.memref_slice %arg9[%multiple_of3A_47] : memref<65536xf32, #tpu.memory_space<vmem_shared>> -> memref<16384xf32, #tpu.memory_space<vmem_shared>>
    %dma_wait3A_745 = arith.constant 0 : i32
    %dma_wait3A_746 = tpu.memref_slice %dma_wait3A_744[%dma_wait3A_745] : memref<16384xf32, #tpu.memory_space<vmem_shared>> -> memref<16384xf32, #tpu.memory_space<vmem_shared>>
    tpu.wait_indirect_dma semaphore(%arg18 : memref<!tpu.dma_semaphore, #tpu.memory_space<semaphore_mem>>) src(%dma_wait3A_740 : memref<128xf32, #tpu.memory_space<vmem>>) dst(%dma_wait3A_746 : memref<16384xf32, #tpu.memory_space<vmem_shared>>)
    %dma_wait3A_747 = arith.constant 14 : i32
    %dma_wait3A_748 = arith.constant 14 : i32
    %dma_wait3A_749 = arith.constant 0 : i32
    %dma_wait3A_750 = tpu.memref_slice %arg13[%dma_wait3A_747, %dma_wait3A_749] : memref<16x128xf32, #tpu.memory_space<vmem>> -> memref<1x128xf32, #tpu.memory_space<vmem>>
    %dma_wait3A_751 = tpu.memref_squeeze %dma_wait3A_750 : memref<1x128xf32, #tpu.memory_space<vmem>> -> memref<128xf32, #tpu.memory_space<vmem>>
    %dma_wait3A_752 = arith.constant 0 : i32
    %dma_wait3A_753 = tpu.memref_slice %arg12[%dma_wait3A_748, %dma_wait3A_752] : memref<16x128xi32, #tpu.memory_space<vmem>> -> memref<1x128xi32, #tpu.memory_space<vmem>>
    %dma_wait3A_754 = tpu.memref_squeeze %dma_wait3A_753 : memref<1x128xi32, #tpu.memory_space<vmem>> -> memref<128xi32, #tpu.memory_space<vmem>>
    %dma_wait3A_755 = tpu.memref_slice %arg9[%multiple_of3A_47] : memref<65536xf32, #tpu.memory_space<vmem_shared>> -> memref<16384xf32, #tpu.memory_space<vmem_shared>>
    %dma_wait3A_756 = arith.constant 0 : i32
    %dma_wait3A_757 = tpu.memref_slice %dma_wait3A_755[%dma_wait3A_756] : memref<16384xf32, #tpu.memory_space<vmem_shared>> -> memref<16384xf32, #tpu.memory_space<vmem_shared>>
    tpu.wait_indirect_dma semaphore(%arg18 : memref<!tpu.dma_semaphore, #tpu.memory_space<semaphore_mem>>) src(%dma_wait3A_751 : memref<128xf32, #tpu.memory_space<vmem>>) dst(%dma_wait3A_757 : memref<16384xf32, #tpu.memory_space<vmem_shared>>)
    %dma_wait3A_758 = arith.constant 15 : i32
    %dma_wait3A_759 = arith.constant 15 : i32
    %dma_wait3A_760 = arith.constant 0 : i32
    %dma_wait3A_761 = tpu.memref_slice %arg13[%dma_wait3A_758, %dma_wait3A_760] : memref<16x128xf32, #tpu.memory_space<vmem>> -> memref<1x128xf32, #tpu.memory_space<vmem>>
    %dma_wait3A_762 = tpu.memref_squeeze %dma_wait3A_761 : memref<1x128xf32, #tpu.memory_space<vmem>> -> memref<128xf32, #tpu.memory_space<vmem>>
    %dma_wait3A_763 = arith.constant 0 : i32
    %dma_wait3A_764 = tpu.memref_slice %arg12[%dma_wait3A_759, %dma_wait3A_763] : memref<16x128xi32, #tpu.memory_space<vmem>> -> memref<1x128xi32, #tpu.memory_space<vmem>>
    %dma_wait3A_765 = tpu.memref_squeeze %dma_wait3A_764 : memref<1x128xi32, #tpu.memory_space<vmem>> -> memref<128xi32, #tpu.memory_space<vmem>>
    %dma_wait3A_766 = tpu.memref_slice %arg9[%multiple_of3A_47] : memref<65536xf32, #tpu.memory_space<vmem_shared>> -> memref<16384xf32, #tpu.memory_space<vmem_shared>>
    %dma_wait3A_767 = arith.constant 0 : i32
    %dma_wait3A_768 = tpu.memref_slice %dma_wait3A_766[%dma_wait3A_767] : memref<16384xf32, #tpu.memory_space<vmem_shared>> -> memref<16384xf32, #tpu.memory_space<vmem_shared>>
    tpu.wait_indirect_dma semaphore(%arg18 : memref<!tpu.dma_semaphore, #tpu.memory_space<semaphore_mem>>) src(%dma_wait3A_762 : memref<128xf32, #tpu.memory_space<vmem>>) dst(%dma_wait3A_768 : memref<16384xf32, #tpu.memory_space<vmem_shared>>)
    %barrier3A_769 = arith.constant 0 : index
    tpu.barrier barrier_id(%barrier3A_769)
    "tpu.region"() ({
      %run_scoped3A = tpu.sem_alloc : memref<!tpu.dma_semaphore, #tpu.memory_space<semaphore_mem>>
      %dma_start3A_772 = tpu.memref_slice %arg9[%multiple_of3A_41] : memref<65536xf32, #tpu.memory_space<vmem_shared>> -> memref<4096xf32, #tpu.memory_space<vmem_shared>>
      %dma_start3A_773 = tpu.memref_slice %arg9[%multiple_of3A_41] : memref<65536xf32, #tpu.memory_space<vmem_shared>> -> memref<4096xf32, #tpu.memory_space<vmem_shared>>
      tpu.enqueue_dma source(%dma_start3A_773 : memref<4096xf32, #tpu.memory_space<vmem_shared>>) target(%arg16 : memref<4096xf32, #tpu.memory_space<vmem>>) target_semaphore(%run_scoped3A : memref<!tpu.dma_semaphore, #tpu.memory_space<semaphore_mem>>)
      %dma_wait3A_774 = tpu.memref_slice %arg9[%multiple_of3A_41] : memref<65536xf32, #tpu.memory_space<vmem_shared>> -> memref<4096xf32, #tpu.memory_space<vmem_shared>>
      %dma_wait3A_775 = tpu.memref_slice %arg9[%multiple_of3A_41] : memref<65536xf32, #tpu.memory_space<vmem_shared>> -> memref<4096xf32, #tpu.memory_space<vmem_shared>>
      tpu.wait_dma2 semaphore(%run_scoped3A : memref<!tpu.dma_semaphore, #tpu.memory_space<semaphore_mem>>) src(%dma_wait3A_775 : memref<4096xf32, #tpu.memory_space<vmem_shared>>) dst(%arg16 : memref<4096xf32, #tpu.memory_space<vmem>>)
      tpu.yield
    }) : () -> ()
    %mul3A_770 = arith.constant 4096 : i32
    %mul3A_771 = arith.muli %select_n3A_30, %mul3A_770 : i32
    "tpu.region"() ({
      %run_scoped3A = tpu.sem_alloc : memref<!tpu.dma_semaphore, #tpu.memory_space<semaphore_mem>>
      %dma_start3A_772 = arith.constant 0 : i32
      %dma_start3A_773 = tpu.memref_slice %arg7[%add3A_9, %dma_start3A_772] : memref<8x16384xf32, #tpu.memory_space<hbm>> -> memref<1x16384xf32, #tpu.memory_space<hbm>>
      %dma_start3A_774 = tpu.memref_squeeze %dma_start3A_773 : memref<1x16384xf32, #tpu.memory_space<hbm>> -> memref<16384xf32, #tpu.memory_space<hbm>>
      %dma_start3A_775 = tpu.memref_slice %dma_start3A_774[%mul3A_771] : memref<16384xf32, #tpu.memory_space<hbm>> -> memref<4096xf32, #tpu.memory_space<hbm>>
      %dma_start3A_776 = arith.constant 0 : i32
      %dma_start3A_777 = tpu.memref_slice %arg7[%add3A_9, %dma_start3A_776] : memref<8x16384xf32, #tpu.memory_space<hbm>> -> memref<1x16384xf32, #tpu.memory_space<hbm>>
      %dma_start3A_778 = tpu.memref_squeeze %dma_start3A_777 : memref<1x16384xf32, #tpu.memory_space<hbm>> -> memref<16384xf32, #tpu.memory_space<hbm>>
      %dma_start3A_779 = tpu.memref_slice %dma_start3A_778[%mul3A_771] : memref<16384xf32, #tpu.memory_space<hbm>> -> memref<4096xf32, #tpu.memory_space<hbm>>
      tpu.enqueue_dma source(%arg16 : memref<4096xf32, #tpu.memory_space<vmem>>) target(%dma_start3A_779 : memref<4096xf32, #tpu.memory_space<hbm>>) target_semaphore(%run_scoped3A : memref<!tpu.dma_semaphore, #tpu.memory_space<semaphore_mem>>)
      %dma_wait3A_780 = arith.constant 0 : i32
      %dma_wait3A_781 = tpu.memref_slice %arg7[%add3A_9, %dma_wait3A_780] : memref<8x16384xf32, #tpu.memory_space<hbm>> -> memref<1x16384xf32, #tpu.memory_space<hbm>>
      %dma_wait3A_782 = tpu.memref_squeeze %dma_wait3A_781 : memref<1x16384xf32, #tpu.memory_space<hbm>> -> memref<16384xf32, #tpu.memory_space<hbm>>
      %dma_wait3A_783 = tpu.memref_slice %dma_wait3A_782[%mul3A_771] : memref<16384xf32, #tpu.memory_space<hbm>> -> memref<4096xf32, #tpu.memory_space<hbm>>
      %dma_wait3A_784 = arith.constant 0 : i32
      %dma_wait3A_785 = tpu.memref_slice %arg7[%add3A_9, %dma_wait3A_784] : memref<8x16384xf32, #tpu.memory_space<hbm>> -> memref<1x16384xf32, #tpu.memory_space<hbm>>
      %dma_wait3A_786 = tpu.memref_squeeze %dma_wait3A_785 : memref<1x16384xf32, #tpu.memory_space<hbm>> -> memref<16384xf32, #tpu.memory_space<hbm>>
      %dma_wait3A_787 = tpu.memref_slice %dma_wait3A_786[%mul3A_771] : memref<16384xf32, #tpu.memory_space<hbm>> -> memref<4096xf32, #tpu.memory_space<hbm>>
      tpu.wait_dma2 semaphore(%run_scoped3A : memref<!tpu.dma_semaphore, #tpu.memory_space<semaphore_mem>>) src(%arg16 : memref<4096xf32, #tpu.memory_space<vmem>>) dst(%dma_wait3A_787 : memref<4096xf32, #tpu.memory_space<hbm>>)
      tpu.yield
    }) : () -> ()
    return
  }
}

module attributes {stable_mosaic.version = 14 : i64} {
  func.func @body(%arg0: i32, %arg1: memref<2x2048x128xf32, #tpu.memory_space<vmem>>, %arg2: memref<8x4096xf32, #tpu.memory_space<vmem>>, %arg3: memref<1x128xf32, #tpu.memory_space<vmem>>, %arg4: memref<1x128xf32, #tpu.memory_space<vmem>>, %arg5: memref<128x32xf32, #tpu.memory_space<vmem>>, %arg6: memref<8x32xf32, #tpu.memory_space<vmem>>, %arg7: memref<8x32xf32, #tpu.memory_space<vmem>>, %arg8: memref<2x8x32xf32, #tpu.memory_space<vmem>>) attributes {dimension_semantics = [#tpu.dimension_semantics<arbitrary>], iteration_bounds = array<i64: 4>, scalar_prefetch = 0 : i64, scratch_operands = 0 : i64, tpu.core_type = #tpu.core_type<tc>, window_params = [{transform_indices = @transform_0, window_bounds = array<i64: 2, 2048, 128>}, {transform_indices = @transform_1, window_bounds = array<i64: 8, 4096>}, {pipeline_mode = #tpu.pipeline_mode<synchronous>, transform_indices = @transform_2, window_bounds = array<i64: 1, 128>}, {pipeline_mode = #tpu.pipeline_mode<synchronous>, transform_indices = @transform_3, window_bounds = array<i64: 1, 128>}, {pipeline_mode = #tpu.pipeline_mode<synchronous>, transform_indices = @transform_4, window_bounds = array<i64: 128, 32>}, {pipeline_mode = #tpu.pipeline_mode<synchronous>, transform_indices = @transform_5, window_bounds = array<i64: 8, 32>}, {pipeline_mode = #tpu.pipeline_mode<synchronous>, transform_indices = @transform_6, window_bounds = array<i64: 8, 32>}, {transform_indices = @transform_7, window_bounds = array<i64: 2, 8, 32>}]} {
    %get3A = arith.constant 0 : index
    %get3A_0 = arith.constant 0 : index
    %get3A_1 = arith.constant 0 : index
    %get3A_2 = vector.load %arg1[%get3A, %get3A_0, %get3A_1] : memref<2x2048x128xf32, #tpu.memory_space<vmem>>, vector<1x2048x128xf32>
    %get3A_3 = vector.shape_cast %get3A_2 : vector<1x2048x128xf32> to vector<2048x128xf32>
    %reduce_sum3A = arith.constant dense<0.000000e+00> : vector<2048xf32>
    %reduce_sum3A_4 = vector.multi_reduction <add>, %get3A_3, %reduce_sum3A [1] : vector<2048x128xf32> to vector<2048xf32>
    %broadcast_in_dim3A = vector.shape_cast %reduce_sum3A_4 : vector<2048xf32> to vector<2048x1xf32>
    %div3A = arith.constant 1.280000e+02 : f32
    %div3A_5 = vector.broadcast %div3A : f32 to vector<2048x1xf32>
    %div3A_6 = arith.divf %broadcast_in_dim3A, %div3A_5 : vector<2048x1xf32>
    %sub3A = vector.broadcast %div3A_6 : vector<2048x1xf32> to vector<2048x128xf32>
    %sub3A_7 = arith.subf %get3A_3, %sub3A : vector<2048x128xf32>
    %square3A = arith.mulf %sub3A_7, %sub3A_7 : vector<2048x128xf32>
    %reduce_sum3A_8 = arith.constant dense<0.000000e+00> : vector<2048xf32>
    %reduce_sum3A_9 = vector.multi_reduction <add>, %square3A, %reduce_sum3A_8 [1] : vector<2048x128xf32> to vector<2048xf32>
    %broadcast_in_dim3A_10 = vector.shape_cast %reduce_sum3A_9 : vector<2048xf32> to vector<2048x1xf32>
    %div3A_11 = arith.constant 1.280000e+02 : f32
    %div3A_12 = vector.broadcast %div3A_11 : f32 to vector<2048x1xf32>
    %div3A_13 = arith.divf %broadcast_in_dim3A_10, %div3A_12 : vector<2048x1xf32>
    %sub3A_14 = vector.broadcast %div3A_6 : vector<2048x1xf32> to vector<2048x128xf32>
    %sub3A_15 = arith.subf %get3A_3, %sub3A_14 : vector<2048x128xf32>
    %add3A = arith.constant 9.99999974E-6 : f32
    %add3A_16 = vector.broadcast %add3A : f32 to vector<2048x1xf32>
    %add3A_17 = arith.addf %div3A_13, %add3A_16 : vector<2048x1xf32>
    %rsqrt3A = math.rsqrt %add3A_17 : vector<2048x1xf32>
    %mul3A = vector.broadcast %rsqrt3A : vector<2048x1xf32> to vector<2048x128xf32>
    %mul3A_18 = arith.mulf %sub3A_15, %mul3A : vector<2048x128xf32>
    %get3A_19 = arith.constant 0 : index
    %get3A_20 = arith.constant 0 : index
    %get3A_21 = vector.load %arg3[%get3A_19, %get3A_20] : memref<1x128xf32, #tpu.memory_space<vmem>>, vector<1x128xf32>
    %get3A_22 = vector.shape_cast %get3A_21 : vector<1x128xf32> to vector<128xf32>
    %broadcast_in_dim3A_23 = vector.shape_cast %get3A_22 : vector<128xf32> to vector<1x128xf32>
    %mul3A_24 = vector.broadcast %broadcast_in_dim3A_23 : vector<1x128xf32> to vector<2048x128xf32>
    %mul3A_25 = arith.mulf %mul3A_18, %mul3A_24 : vector<2048x128xf32>
    %get3A_26 = arith.constant 0 : index
    %get3A_27 = arith.constant 0 : index
    %get3A_28 = vector.load %arg4[%get3A_26, %get3A_27] : memref<1x128xf32, #tpu.memory_space<vmem>>, vector<1x128xf32>
    %get3A_29 = vector.shape_cast %get3A_28 : vector<1x128xf32> to vector<128xf32>
    %broadcast_in_dim3A_30 = vector.shape_cast %get3A_29 : vector<128xf32> to vector<1x128xf32>
    %add3A_31 = vector.broadcast %broadcast_in_dim3A_30 : vector<1x128xf32> to vector<2048x128xf32>
    %add3A_32 = arith.addf %mul3A_25, %add3A_31 : vector<2048x128xf32>
    %get3A_33 = arith.constant 0 : index
    %get3A_34 = arith.constant 0 : index
    %get3A_35 = vector.load %arg2[%get3A_33, %get3A_34] : memref<8x4096xf32, #tpu.memory_space<vmem>>, vector<8x2048xf32>
    %dot_general3A = arith.constant dense<0.000000e+00> : vector<8x128xf32>
    %dot_general3A_36 = tpu.matmul %get3A_35, %add3A_32, %dot_general3A {dimension_numbers = #tpu.dot_dimension_numbers<[1], [0], [0], [1], [0, 0, 1, 1], [], []>, transpose_lhs_hint = false} : vector<8x2048xf32>, vector<2048x128xf32>, vector<8x128xf32> -> vector<8x128xf32>
    %get3A_37 = arith.constant 0 : index
    %get3A_38 = arith.constant 0 : index
    %get3A_39 = vector.load %arg5[%get3A_37, %get3A_38] : memref<128x32xf32, #tpu.memory_space<vmem>>, vector<128x32xf32>
    %dot_general3A_40 = arith.constant dense<0.000000e+00> : vector<8x32xf32>
    %dot_general3A_41 = tpu.matmul %dot_general3A_36, %get3A_39, %dot_general3A_40 {dimension_numbers = #tpu.dot_dimension_numbers<[1], [0], [0], [1], [0, 0, 1, 1], [], []>, transpose_lhs_hint = false} : vector<8x128xf32>, vector<128x32xf32>, vector<8x32xf32> -> vector<8x32xf32>
    %mul3A_42 = arith.constant 9.765625E-4 : f32
    %mul3A_43 = vector.broadcast %mul3A_42 : f32 to vector<8x32xf32>
    %mul3A_44 = arith.mulf %dot_general3A_41, %mul3A_43 : vector<8x32xf32>
    %reduce_sum3A_45 = vector.shape_cast %mul3A_44 : vector<8x32xf32> to vector<1x8x32xf32>
    %reduce_sum3A_46 = arith.constant dense<0.000000e+00> : vector<1xf32>
    %reduce_sum3A_47 = vector.multi_reduction <add>, %reduce_sum3A_45, %reduce_sum3A_46 [1, 2] : vector<1x8x32xf32> to vector<1xf32>
    %reduce_sum3A_48 = vector.shape_cast %reduce_sum3A_47 : vector<1xf32> to vector<1x1x1xf32>
    %reduce_sum3A_49 = vector.extract %reduce_sum3A_48[0, 0, 0] : f32 from vector<1x1x1xf32>
    %div3A_50 = arith.constant 2.560000e+02 : f32
    %div3A_51 = arith.divf %reduce_sum3A_49, %div3A_50 : f32
    %sub3A_52 = vector.broadcast %div3A_51 : f32 to vector<8x32xf32>
    %sub3A_53 = arith.subf %mul3A_44, %sub3A_52 : vector<8x32xf32>
    %square3A_54 = arith.mulf %sub3A_53, %sub3A_53 : vector<8x32xf32>
    %reduce_sum3A_55 = vector.shape_cast %square3A_54 : vector<8x32xf32> to vector<1x8x32xf32>
    %reduce_sum3A_56 = arith.constant dense<0.000000e+00> : vector<1xf32>
    %reduce_sum3A_57 = vector.multi_reduction <add>, %reduce_sum3A_55, %reduce_sum3A_56 [1, 2] : vector<1x8x32xf32> to vector<1xf32>
    %reduce_sum3A_58 = vector.shape_cast %reduce_sum3A_57 : vector<1xf32> to vector<1x1x1xf32>
    %reduce_sum3A_59 = vector.extract %reduce_sum3A_58[0, 0, 0] : f32 from vector<1x1x1xf32>
    %div3A_60 = arith.constant 2.560000e+02 : f32
    %div3A_61 = arith.divf %reduce_sum3A_59, %div3A_60 : f32
    %sub3A_62 = vector.broadcast %div3A_51 : f32 to vector<8x32xf32>
    %sub3A_63 = arith.subf %mul3A_44, %sub3A_62 : vector<8x32xf32>
    %add3A_64 = arith.constant 9.99999974E-6 : f32
    %add3A_65 = arith.addf %div3A_61, %add3A_64 : f32
    %rsqrt3A_66 = math.rsqrt %add3A_65 : f32
    %mul3A_67 = vector.broadcast %rsqrt3A_66 : f32 to vector<8x32xf32>
    %mul3A_68 = arith.mulf %sub3A_63, %mul3A_67 : vector<8x32xf32>
    %get3A_69 = arith.constant 0 : index
    %get3A_70 = arith.constant 0 : index
    %get3A_71 = vector.load %arg6[%get3A_69, %get3A_70] : memref<8x32xf32, #tpu.memory_space<vmem>>, vector<8x32xf32>
    %mul3A_72 = arith.mulf %mul3A_68, %get3A_71 : vector<8x32xf32>
    %get3A_73 = arith.constant 0 : index
    %get3A_74 = arith.constant 0 : index
    %get3A_75 = vector.load %arg7[%get3A_73, %get3A_74] : memref<8x32xf32, #tpu.memory_space<vmem>>, vector<8x32xf32>
    %add3A_76 = arith.addf %mul3A_72, %get3A_75 : vector<8x32xf32>
    %swap3A = arith.constant 0 : index
    %swap3A_77 = arith.constant 0 : index
    %swap3A_78 = arith.constant 0 : index
    %swap3A_79 = vector.load %arg8[%swap3A, %swap3A_77, %swap3A_78] : memref<2x8x32xf32, #tpu.memory_space<vmem>>, vector<1x8x32xf32>
    %swap3A_80 = vector.shape_cast %swap3A_79 : vector<1x8x32xf32> to vector<8x32xf32>
    %swap3A_81 = vector.shape_cast %add3A_76 : vector<8x32xf32> to vector<1x8x32xf32>
    tpu.vector_store %arg8[%swap3A, %swap3A_77, %swap3A_78], %swap3A_81 {strides = array<i32>} : memref<2x8x32xf32, #tpu.memory_space<vmem>>, vector<1x8x32xf32>,
    %get3A_82 = arith.constant 1 : index
    %get3A_83 = arith.constant 0 : index
    %get3A_84 = arith.constant 0 : index
    %get3A_85 = vector.load %arg1[%get3A_82, %get3A_83, %get3A_84] : memref<2x2048x128xf32, #tpu.memory_space<vmem>>, vector<1x2048x128xf32>
    %get3A_86 = vector.shape_cast %get3A_85 : vector<1x2048x128xf32> to vector<2048x128xf32>
    %reduce_sum3A_87 = arith.constant dense<0.000000e+00> : vector<2048xf32>
    %reduce_sum3A_88 = vector.multi_reduction <add>, %get3A_86, %reduce_sum3A_87 [1] : vector<2048x128xf32> to vector<2048xf32>
    %broadcast_in_dim3A_89 = vector.shape_cast %reduce_sum3A_88 : vector<2048xf32> to vector<2048x1xf32>
    %div3A_90 = arith.constant 1.280000e+02 : f32
    %div3A_91 = vector.broadcast %div3A_90 : f32 to vector<2048x1xf32>
    %div3A_92 = arith.divf %broadcast_in_dim3A_89, %div3A_91 : vector<2048x1xf32>
    %sub3A_93 = vector.broadcast %div3A_92 : vector<2048x1xf32> to vector<2048x128xf32>
    %sub3A_94 = arith.subf %get3A_86, %sub3A_93 : vector<2048x128xf32>
    %square3A_95 = arith.mulf %sub3A_94, %sub3A_94 : vector<2048x128xf32>
    %reduce_sum3A_96 = arith.constant dense<0.000000e+00> : vector<2048xf32>
    %reduce_sum3A_97 = vector.multi_reduction <add>, %square3A_95, %reduce_sum3A_96 [1] : vector<2048x128xf32> to vector<2048xf32>
    %broadcast_in_dim3A_98 = vector.shape_cast %reduce_sum3A_97 : vector<2048xf32> to vector<2048x1xf32>
    %div3A_99 = arith.constant 1.280000e+02 : f32
    %div3A_100 = vector.broadcast %div3A_99 : f32 to vector<2048x1xf32>
    %div3A_101 = arith.divf %broadcast_in_dim3A_98, %div3A_100 : vector<2048x1xf32>
    %sub3A_102 = vector.broadcast %div3A_92 : vector<2048x1xf32> to vector<2048x128xf32>
    %sub3A_103 = arith.subf %get3A_86, %sub3A_102 : vector<2048x128xf32>
    %add3A_104 = arith.constant 9.99999974E-6 : f32
    %add3A_105 = vector.broadcast %add3A_104 : f32 to vector<2048x1xf32>
    %add3A_106 = arith.addf %div3A_101, %add3A_105 : vector<2048x1xf32>
    %rsqrt3A_107 = math.rsqrt %add3A_106 : vector<2048x1xf32>
    %mul3A_108 = vector.broadcast %rsqrt3A_107 : vector<2048x1xf32> to vector<2048x128xf32>
    %mul3A_109 = arith.mulf %sub3A_103, %mul3A_108 : vector<2048x128xf32>
    %get3A_110 = arith.constant 0 : index
    %get3A_111 = arith.constant 0 : index
    %get3A_112 = vector.load %arg3[%get3A_110, %get3A_111] : memref<1x128xf32, #tpu.memory_space<vmem>>, vector<1x128xf32>
    %get3A_113 = vector.shape_cast %get3A_112 : vector<1x128xf32> to vector<128xf32>
    %broadcast_in_dim3A_114 = vector.shape_cast %get3A_113 : vector<128xf32> to vector<1x128xf32>
    %mul3A_115 = vector.broadcast %broadcast_in_dim3A_114 : vector<1x128xf32> to vector<2048x128xf32>
    %mul3A_116 = arith.mulf %mul3A_109, %mul3A_115 : vector<2048x128xf32>
    %get3A_117 = arith.constant 0 : index
    %get3A_118 = arith.constant 0 : index
    %get3A_119 = vector.load %arg4[%get3A_117, %get3A_118] : memref<1x128xf32, #tpu.memory_space<vmem>>, vector<1x128xf32>
    %get3A_120 = vector.shape_cast %get3A_119 : vector<1x128xf32> to vector<128xf32>
    %broadcast_in_dim3A_121 = vector.shape_cast %get3A_120 : vector<128xf32> to vector<1x128xf32>
    %add3A_122 = vector.broadcast %broadcast_in_dim3A_121 : vector<1x128xf32> to vector<2048x128xf32>
    %add3A_123 = arith.addf %mul3A_116, %add3A_122 : vector<2048x128xf32>
    %get3A_124 = arith.constant 0 : index
    %get3A_125 = arith.constant 2048 : index
    %get3A_126 = vector.load %arg2[%get3A_124, %get3A_125] : memref<8x4096xf32, #tpu.memory_space<vmem>>, vector<8x2048xf32>
    %dot_general3A_127 = arith.constant dense<0.000000e+00> : vector<8x128xf32>
    %dot_general3A_128 = tpu.matmul %get3A_126, %add3A_123, %dot_general3A_127 {dimension_numbers = #tpu.dot_dimension_numbers<[1], [0], [0], [1], [0, 0, 1, 1], [], []>, transpose_lhs_hint = false} : vector<8x2048xf32>, vector<2048x128xf32>, vector<8x128xf32> -> vector<8x128xf32>
    %get3A_129 = arith.constant 0 : index
    %get3A_130 = arith.constant 0 : index
    %get3A_131 = vector.load %arg5[%get3A_129, %get3A_130] : memref<128x32xf32, #tpu.memory_space<vmem>>, vector<128x32xf32>
    %dot_general3A_132 = arith.constant dense<0.000000e+00> : vector<8x32xf32>
    %dot_general3A_133 = tpu.matmul %dot_general3A_128, %get3A_131, %dot_general3A_132 {dimension_numbers = #tpu.dot_dimension_numbers<[1], [0], [0], [1], [0, 0, 1, 1], [], []>, transpose_lhs_hint = false} : vector<8x128xf32>, vector<128x32xf32>, vector<8x32xf32> -> vector<8x32xf32>
    %mul3A_134 = arith.constant 9.765625E-4 : f32
    %mul3A_135 = vector.broadcast %mul3A_134 : f32 to vector<8x32xf32>
    %mul3A_136 = arith.mulf %dot_general3A_133, %mul3A_135 : vector<8x32xf32>
    %reduce_sum3A_137 = vector.shape_cast %mul3A_136 : vector<8x32xf32> to vector<1x8x32xf32>
    %reduce_sum3A_138 = arith.constant dense<0.000000e+00> : vector<1xf32>
    %reduce_sum3A_139 = vector.multi_reduction <add>, %reduce_sum3A_137, %reduce_sum3A_138 [1, 2] : vector<1x8x32xf32> to vector<1xf32>
    %reduce_sum3A_140 = vector.shape_cast %reduce_sum3A_139 : vector<1xf32> to vector<1x1x1xf32>
    %reduce_sum3A_141 = vector.extract %reduce_sum3A_140[0, 0, 0] : f32 from vector<1x1x1xf32>
    %div3A_142 = arith.constant 2.560000e+02 : f32
    %div3A_143 = arith.divf %reduce_sum3A_141, %div3A_142 : f32
    %sub3A_144 = vector.broadcast %div3A_143 : f32 to vector<8x32xf32>
    %sub3A_145 = arith.subf %mul3A_136, %sub3A_144 : vector<8x32xf32>
    %square3A_146 = arith.mulf %sub3A_145, %sub3A_145 : vector<8x32xf32>
    %reduce_sum3A_147 = vector.shape_cast %square3A_146 : vector<8x32xf32> to vector<1x8x32xf32>
    %reduce_sum3A_148 = arith.constant dense<0.000000e+00> : vector<1xf32>
    %reduce_sum3A_149 = vector.multi_reduction <add>, %reduce_sum3A_147, %reduce_sum3A_148 [1, 2] : vector<1x8x32xf32> to vector<1xf32>
    %reduce_sum3A_150 = vector.shape_cast %reduce_sum3A_149 : vector<1xf32> to vector<1x1x1xf32>
    %reduce_sum3A_151 = vector.extract %reduce_sum3A_150[0, 0, 0] : f32 from vector<1x1x1xf32>
    %div3A_152 = arith.constant 2.560000e+02 : f32
    %div3A_153 = arith.divf %reduce_sum3A_151, %div3A_152 : f32
    %sub3A_154 = vector.broadcast %div3A_143 : f32 to vector<8x32xf32>
    %sub3A_155 = arith.subf %mul3A_136, %sub3A_154 : vector<8x32xf32>
    %add3A_156 = arith.constant 9.99999974E-6 : f32
    %add3A_157 = arith.addf %div3A_153, %add3A_156 : f32
    %rsqrt3A_158 = math.rsqrt %add3A_157 : f32
    %mul3A_159 = vector.broadcast %rsqrt3A_158 : f32 to vector<8x32xf32>
    %mul3A_160 = arith.mulf %sub3A_155, %mul3A_159 : vector<8x32xf32>
    %get3A_161 = arith.constant 0 : index
    %get3A_162 = arith.constant 0 : index
    %get3A_163 = vector.load %arg6[%get3A_161, %get3A_162] : memref<8x32xf32, #tpu.memory_space<vmem>>, vector<8x32xf32>
    %mul3A_164 = arith.mulf %mul3A_160, %get3A_163 : vector<8x32xf32>
    %get3A_165 = arith.constant 0 : index
    %get3A_166 = arith.constant 0 : index
    %get3A_167 = vector.load %arg7[%get3A_165, %get3A_166] : memref<8x32xf32, #tpu.memory_space<vmem>>, vector<8x32xf32>
    %add3A_168 = arith.addf %mul3A_164, %get3A_167 : vector<8x32xf32>
    %swap3A_169 = arith.constant 1 : index
    %swap3A_170 = arith.constant 0 : index
    %swap3A_171 = arith.constant 0 : index
    %swap3A_172 = vector.load %arg8[%swap3A_169, %swap3A_170, %swap3A_171] : memref<2x8x32xf32, #tpu.memory_space<vmem>>, vector<1x8x32xf32>
    %swap3A_173 = vector.shape_cast %swap3A_172 : vector<1x8x32xf32> to vector<8x32xf32>
    %swap3A_174 = vector.shape_cast %add3A_168 : vector<8x32xf32> to vector<1x8x32xf32>
    tpu.vector_store %arg8[%swap3A_169, %swap3A_170, %swap3A_171], %swap3A_174 {strides = array<i32>} : memref<2x8x32xf32, #tpu.memory_space<vmem>>, vector<1x8x32xf32>,
    return
  }
  func.func @transform_0(%arg0: i32) -> (i32, i32, i32) {
    %c0_i32 = arith.constant 0 : i32
    %c0_i32_0 = arith.constant 0 : i32
    %c0_i32_1 = arith.constant 0 : i32
    return %arg0, %c0_i32, %c0_i32_0 : i32, i32, i32
  }
  func.func @transform_1(%arg0: i32) -> (i32, i32) {
    %c0_i32 = arith.constant 0 : i32
    %c0_i32_0 = arith.constant 0 : i32
    return %c0_i32, %arg0 : i32, i32
  }
  func.func @transform_2(%arg0: i32) -> (i32, i32) {
    %c0_i32 = arith.constant 0 : i32
    %c0_i32_0 = arith.constant 0 : i32
    %c0_i32_1 = arith.constant 0 : i32
    return %c0_i32, %c0_i32_0 : i32, i32
  }
  func.func @transform_3(%arg0: i32) -> (i32, i32) {
    %c0_i32 = arith.constant 0 : i32
    %c0_i32_0 = arith.constant 0 : i32
    %c0_i32_1 = arith.constant 0 : i32
    return %c0_i32, %c0_i32_0 : i32, i32
  }
  func.func @transform_4(%arg0: i32) -> (i32, i32) {
    %c0_i32 = arith.constant 0 : i32
    %c0_i32_0 = arith.constant 0 : i32
    %c0_i32_1 = arith.constant 0 : i32
    return %c0_i32, %c0_i32_0 : i32, i32
  }
  func.func @transform_5(%arg0: i32) -> (i32, i32) {
    %c0_i32 = arith.constant 0 : i32
    %c0_i32_0 = arith.constant 0 : i32
    %c0_i32_1 = arith.constant 0 : i32
    return %c0_i32, %c0_i32_0 : i32, i32
  }
  func.func @transform_6(%arg0: i32) -> (i32, i32) {
    %c0_i32 = arith.constant 0 : i32
    %c0_i32_0 = arith.constant 0 : i32
    %c0_i32_1 = arith.constant 0 : i32
    return %c0_i32, %c0_i32_0 : i32, i32
  }
  func.func @transform_7(%arg0: i32) -> (i32, i32, i32) {
    %c0_i32 = arith.constant 0 : i32
    %c0_i32_0 = arith.constant 0 : i32
    %c0_i32_1 = arith.constant 0 : i32
    return %arg0, %c0_i32, %c0_i32_0 : i32, i32, i32
  }
}

</mosaic_0001>

<sc_bundles>
// kernel: kernel.4.cloned.1.call-start
scs
__scs_entry_jumppad:
0x0: {  	(pc) =	sbr.rel $0x88, $3  }
0x1: {  	(tag) =	ssettag $0x0;
	lr =	simm.s32 $0x1  }
0x2: {  	[smem:$0x3F99] =	sst lr;
	_ =	strace $0xD0000000  }
0x3: {  	_ = 	snop  }
0x4: {  	_ = 	snop  }
0x5: {  	_ = 	snop  }
0x6: {  	_ = 	snop  }
0x7: {  	_ = 	snop  }
__scs_overlays_trampoline_lowered:
0x8: {  	[smem:$0x3FA8] =	sst s0  }
0x9: {  	[smem:$0x3FA9] =	sst s1  }
0xa: {  	[smem:$0x3FAA] =	sst s2  }
0xb: {  	[smem:$0x3FAB] =	sst s3  }
0xc: {  	[smem:$0x3FAC] =	sst s4  }
0xd: {  	[smem:$0x3FAD] =	sst s5  }
0xe: {  	[smem:$0x3FAE] =	sst s6  }
0xf: {  	[smem:$0x3FAF] =	sst s7  }
0x10: {  	[smem:$0x3FB0] =	sst s8  }
0x11: {  	[smem:$0x3FB1] =	sst s9;
	s0 =	simm.s32 @!p0 $0x0  }
0x12: {  	s1 =	sld [smem:$0x3F97];
	s0 =	simm.s32 @p0 $0x1  }
0x13: {  	[smem:$0x3FB2] =	sst s0;
	s0 =	simm.s32 @!p1 $0x0  }
0x14: {  	s2 =	sld [smem:$0x3F96];
	s0 =	simm.s32 @p1 $0x1  }
0x15: {  	[smem:$0x3FB3] =	sst s0;
	s0 =	simm.s32 @!p2 $0x0  }
0x16: {  	s3 =	sld [smem:$0x3FDB];
	s0 =	simm.s32 @p2 $0x1  }
0x17: {  	s4 =	simm.s32 $0x1BF5;
	[smem:$0x3FB5] =	sst s0  }
0x18: {  	s0 =	sld [smem:$0x3F98];
	_ =	swait.ge [sflag:s4], $0x0  }
0x19: {  	s7 =	sld [smem:$0x3F99]  }
0x1a: {  	s8 =	sadd.s32 $0xFFFFE003, lr  }
0x1b: {  	s9 =	sadd.s32 $0xFFFFFEF7, lr;
	s5 =	simm.s32 $0xFFFFFFFF;
	p2 =	slt.u32 s8, $0xFFFFF086  }
0x1c: {  	p1 =	slt.u32 s9, $0xF7A;
	s5 =	simm.s32 @!p2 $0x0  }
0x1d: {  	s5 =	simm.s32 @p1 $0x1;
	p0 =	seq.s32 s7, s2  }
0x1e: {  	s7 =	smul.u32 @!p0 $0xF7A, s2;
	p2 =	seq.s32 @!p0 s5, $0x0  }
0x1f: {  	s9 =	smul.u32 $0xF7A, s1;
	s8 =	simm.s32 @!p0 $0x1BF5;
	p2 =	por !p2, p0  }
0x20: {  	[sflag:s8] =	ssyncset.s32 @!p0 $0xFFFFF086;
	s6 =	sadd.s32 @!p0 s3, s7;
	s7 =	simm.s32 @!p0 $0x108  }
0x21: {  	s3 =	sadd.s32 s3, s9;
	s6 =	sadd.s32 @!p0 $0x88, s6;
	s7 =	simm.s32 @p2 $0x1082  }
0x22: {  	[simem:s7], [sflag:s8] =	dma.local @!p0 [hbm:s6], $0xF7A  }
0x23: {  	s9 =	sor.u32 $0xD0000000, s2;
	s6 =	simm.s32 $0x108;
	_ =	swait.ge @!p0 [sflag:s8], $0x0  }
0x24: {  	s3 =	sadd.s32 $0x88, s3;
	s6 =	simm.s32 @!p1 $0x1082;
	[sflag:s4] =	ssyncset.s32 $0xFFFFF086  }
0x25: {  	[simem:s6], [sflag:s4] =	dma.local [hbm:s3], $0xF7A  }
0x26: {  	[smem:$0x3F99] =	sst s1;
	(tag) =	ssettag s2;
	_ =	strace s9  }
0x27: {  	s1 =	sld [smem:$0x3FA9]  }
0x28: {  	s2 =	sld [smem:$0x3FAA]  }
0x29: {  	s4 =	sld [smem:$0x3FAC]  }
0x2a: {  	p0 =	seq.s32 s5, $0x0;
	s5 =	sld [smem:$0x3FAD]  }
0x2b: {  	s6 =	sld [smem:$0x3FAE]  }
0x2c: {  	s7 =	sld [smem:$0x3FAF]  }
0x2d: {  	s3 =	simm.s32 $0x108;
	s8 =	sld [smem:$0x3FB0]  }
0x2e: {  	s3 =	simm.s32 @!p0 $0x1082;
	s9 =	sld [smem:$0x3FB1]  }
0x2f: {  	lr =	sadd.s32 s0, s3;
	s0 =	sld [smem:$0x3FA8]  }
0x30: {  	s3 =	sld [smem:$0x3FAB]  }
0x31: {  	[smem:$0x3FB4] =	sst s10  }
0x32: {  	s10 =	sld [smem:$0x3FB2];
	_ =	sdelay $0x3  }
0x33: {  	p0 =	seq.s32 s10, $0x1;
	s10 =	sld [smem:$0x3FB4];
	_ =	sdelay $0x3  }
0x34: {  	[smem:$0x3FB4] =	sst s10  }
0x35: {  	s10 =	sld [smem:$0x3FB3];
	_ =	sdelay $0x3  }
0x36: {  	p1 =	seq.s32 s10, $0x1;
	s10 =	sld [smem:$0x3FB4];
	_ =	sdelay $0x3  }
0x37: {  	[smem:$0x3FB4] =	sst s10  }
0x38: {  	s10 =	sld [smem:$0x3FB5]  }
0x39: {  	_ = 	snop;
	(pc) =	sbr.ind lr, $3  }
0x3a: {  	_ = 	snop  }
0x3b: {  	_ = 	snop  }
0x3c: {  	p2 =	seq.s32 s10, $0x1;
	s10 =	sld [smem:$0x3FB4]  }
0x3d: {  	_ =	shalt  }
0x3e: {  	_ =	shalt  }
0x3f: {  	_ =	shalt  }
0x40: {  	_ =	shalt  }
0x41: {  	_ =	shalt  }
0x42: {  	_ =	shalt  }
0x43: {  	_ =	shalt  }
0x44: {  	_ =	shalt  }
0x45: {  	_ =	shalt  }
0x46: {  	_ =	shalt  }
0x47: {  	_ =	shalt  }
0x48: {  	_ =	shalt  }
0x49: {  	_ =	shalt  }
0x4a: {  	_ =	shalt  }
0x4b: {  	_ =	shalt  }
0x4c: {  	_ =	shalt  }
0x4d: {  	_ =	shalt  }
0x4e: {  	_ =	shalt  }
0x4f: {  	_ =	shalt  }
0x50: {  	_ =	shalt  }
0x51: {  	_ =	shalt  }
0x52: {  	_ =	shalt  }
0x53: {  	_ =	shalt  }
0x54: {  	_ =	shalt  }
0x55: {  	_ =	shalt  }
0x56: {  	_ =	shalt  }
0x57: {  	_ =	shalt  }
0x58: {  	_ =	shalt  }
0x59: {  	_ =	shalt  }
0x5a: {  	_ =	shalt  }
0x5b: {  	_ =	shalt  }
0x5c: {  	_ =	shalt  }
0x5d: {  	_ =	shalt  }
0x5e: {  	_ =	shalt  }
0x5f: {  	_ =	shalt  }
0x60: {  	_ =	shalt  }
0x61: {  	_ =	shalt  }
0x62: {  	_ =	shalt  }
0x63: {  	_ =	shalt  }
0x64: {  	_ =	shalt  }
0x65: {  	_ =	shalt  }
0x66: {  	_ =	shalt  }
0x67: {  	_ =	shalt  }
0x68: {  	_ =	shalt  }
0x69: {  	_ =	shalt  }
0x6a: {  	_ =	shalt  }
0x6b: {  	_ =	shalt  }
0x6c: {  	_ =	shalt  }
0x6d: {  	_ =	shalt  }
0x6e: {  	_ =	shalt  }
0x6f: {  	_ =	shalt  }
0x70: {  	_ =	shalt  }
0x71: {  	_ =	shalt  }
0x72: {  	_ =	shalt  }
0x73: {  	_ =	shalt  }
0x74: {  	_ =	shalt  }
0x75: {  	_ =	shalt  }
0x76: {  	_ =	shalt  }
0x77: {  	_ =	shalt  }
0x78: {  	_ =	shalt  }
0x79: {  	_ =	shalt  }
0x7a: {  	_ =	shalt  }
0x7b: {  	_ =	shalt  }
0x7c: {  	_ =	shalt  }
0x7d: {  	_ =	shalt  }
0x7e: {  	_ =	shalt  }
0x7f: {  	_ =	shalt  }
0x80: {  	_ =	shalt  }
0x81: {  	_ =	shalt  }
0x82: {  	_ =	shalt  }
0x83: {  	_ =	shalt  }
0x84: {  	_ =	shalt  }
0x85: {  	_ =	shalt  }
0x86: {  	_ =	shalt  }
0x87: {  	_ =	shalt  }
.Lfunc_end0:
.L_simem_size_0:
called_computation_lowered:
.L_overlay_start_0:
0x88: {  	s2 =	sld [smem:$0x3FD9]  }
0x89: {  	s3 =	sld [smem:$0x3FFE];
	_ =	sdelay $0x1  }
0x8a: {  	s1 =	srdreg.scid  }
0x8b: {  	s0 =	sand.u32 $0x1, s1  }
0x8c: {  	s17 =	sshll.u32 s0, $0xA;
	s2 =	sadd.s32 s3, s2  }
0x8d: {  	s2 =	sadd.s32 s2, s17  }
0x8e: {  	[smem:$0x3FC0] =	sst s2  }
0x8f: {  	_ = 	snop  }
0x90: {  	s2 =	sld [smem:$0x3FC4]  }
0x91: {  	s18 =	sld [smem:$0x3FC3]  }
0x92: {  	s4 =	sld [smem:$0x3FD0];
	(tm) =	ssettm $0x1  }
0x93: {  	s5 =	sld [smem:$0x3FFB];
	_ =	sdelay $0x3  }
0x94: {  	_ =	strace s5  }
0x95: {  	s5 =	sld [smem:$0x3FFC];
	_ =	sdelay $0x3  }
0x96: {  	_ =	strace s5  }
0x97: {  	s5 =	sld [smem:$0x3FFD];
	_ =	sdelay $0x3  }
0x98: {  	_ =	strace s5  }
0x99: {  	_ =	strace $0x8FFFFFFF  }
0x9a: {  	s19 =	sld [smem:$0x3FDB];
	_ =	sdelay $0x1  }
0x9b: {  	s6 =	simm.s32 $_scs_section_size  }
0x9c: {  	s7 =	simm.s32 $_size__tile_overlayer_lowered;
	s8 =	simm.s32 $_tile_overlayer_lowered  }
0x9d: {  	s22 =	simm.s32 $0x1BFF;
	s21 =	sshll.u32 s8, $0x1;
	s5 =	sadd.s32 s6, s19  }
0x9e: {  	s9 =	simm.s32 $0x0;
	s20 =	sshll.u32 s7, $0x1;
	s7 =	sadd.s32 s21, s5  }
0x9f: {  	[timem:s9], [sflag:s22] =	dma.local [hbm:s7], s20  }
0xa0: {  	_ =	swait.ge [sflag:s22], s20  }
0xa1: {  	s6 =	ssub.s32 $0x0, s20;
	[sflag:s22] =	ssyncset.done $0x0  }
0xa2: {  	[sflag:s22] =	ssyncadd.s32 s6;
	_ =	sdelay $0x1  }
0xa3: {  	s23 =	simm.s32 $0x1B8B  }
0xa4: {  	_ =	swait.ge [sflag:s23], $0x1  }
0xa5: {  	[sflag:s23] =	ssyncset.done $0x0  }
0xa6: {  	s25 =	simm.s32 $0x1B8E;
	s24 =	sld [smem:$0x3FFE];
	[sflag:s23] =	ssyncadd.s32 $0xFFFFFFFF  }
0xa7: {  	s26 =	simm.s32 $execute0_lowered;
	[smem:$0x3FD2] =	sst s25  }
0xa8: {  	s7 =	sshll.u32 s26, $0x1;
	_ =	strace $0x80000046;
	[dreg:$0x1] =	wrdreg $0xFFFFFFFF  }
0xa9: {  	s28 =	simm.s32 $_size_execute0_lowered;
	s5 =	sadd.s32 s5, s7;
	[dreg:$0x0] =	wrdreg $0x0  }
0xaa: {  	s7 =	sshll.u32 s28, $0x1;
	[dreg:$0x2] =	wrdreg s5  }
0xab: {  	[dreg:$0x3] =	wrdreg s7  }
0xac: {  	[dreg:$0x4] =	wrdreg $0xC0  }
0xad: {  	_ =	task [dreg:s9], $0x5FFFF  }
0xae: {  	[dreg:$0x1] =	wrdreg $0xFFFFFFFF  }
0xaf: {  	[dreg:$0x0] =	wrdreg $0x60  }
0xb0: {  	[dreg:$0x2] =	wrdreg s24  }
0xb1: {  	[dreg:$0x3] =	wrdreg s18  }
0xb2: {  	[dreg:$0x4] =	wrdreg s2  }
0xb3: {  	[dreg:$0x5] =	wrdreg s4  }
0xb4: {  	[dreg:$0x6] =	wrdreg $0x0  }
0xb5: {  	[dreg:$0x7] =	wrdreg $0x32000  }
0xb6: {  	[dreg:$0x8] =	wrdreg $0x9  }
0xb7: {  	_ =	task.clear_ibuf [dreg:s9], $0x9FFFF;
	_ =	strace $0x90000046  }
0xb8: {  	s29 =	simm.s32 $0x9;
	_ =	strace $0x80000048  }
0xb9: {  	_ =	swait.ge [sflag:s29], $0x1  }
0xba: {  	[sflag:s29] =	ssyncadd.s32 $0xFFFFFFFF  }
0xbb: {  	_ =	strace $0x90000048  }
0xbc: {  	_ =	sfence  }
0xbd: {  	s30 =	sld [smem:$0x0];
	_ =	sdelay $0x2  }
0xbe: {  	s31 =	sshll.u32 s1, $0xD;
	s1 =	sshrl.u32 s1, $0x2  }
0xbf: {  	s3 =	sand.u32 $0x4000, s31;
	s1 =	sadd.s32 s1, s30  }
0xc0: {  	s0 =	sor.u32 s3, s0;
	s1 =	sshll.u32 s1, $0x11  }
0xc1: {  	s0 =	sor.u32 s1, s0  }
0xc2: {  	s0 =	sadd.s32 $0x8F2B, s0  }
0xc3: {  	[sflag:s0] =	ssyncadd.remote.s32 $0x1  }
0xc4: {  	_ =	sfence.sel $0xFFFF  }
0xc5: {  	[dreg:$0x0] =	wrdreg $0xFFFFFFFF;
	(pc) =	sbr.abs _section_cstart, $3  }
0xc6: {  	[dreg:$0x1] =	wrdreg $0xFFFFFFFF  }
0xc7: {  	_ =	task.clear_ibuf [dreg:s9], $0x2FFFF;
	_ =	strace $0x9FFFFFFF  }
0xc8: {  	(tm) =	ssettm $0x7FFFFFFF  }
0xc9: {  	_ =	shalt  }
tec
execute0_lowered:
.L_overlay_start_1:
0x0: {  	(tag) =	ssettag $0x1  }
0x1: {  	s0 =	rddreg [dreg:$0x0]  }
0x2: {  	s1 =	rddreg [dreg:$0x1]  }
0x3: {  	s2 =	rddreg [dreg:$0x2]  }
0x4: {  	s3 =	rddreg [dreg:$0x3]  }
0x5: {  	s26 =	rddreg [dreg:$0x4]  }
0x6: {  	s4 =	rddreg [dreg:$0x5]  }
0x7: {  	s10 =	stileid.u32;
	s5 =	srdreg.scid;
	s20 =	simm.s32 $0x0  }
0x8: {  	s18 =	simm.s32 $0x4280;
	s19 =	simm.s32 $0x4380;
	[dreg:$0x8] =	wrdreg s3  }
0x9: {  	s21 =	simm.s32 $0x4400;
	[smem:$0x7FF] =	sst s20;
	s9 =	sadd.s32 $0x1200, s0  }
0xa: {  	s22 =	simm.s32 $0x4480;
	_ =	strace $0x80000047;
	[dreg:$0x7] =	wrdreg s9  }
0xb: {  	s24 =	simm.s32 $0x4500;
	s25 =	simm.s32 $0x4580;
	[dreg:$0xd] =	wrdreg s18  }
0xc: {  	s30 =	simm.s32 $0x5B80;
	s31 =	simm.s32 $0x5B00;
	[dreg:$0xe] =	wrdreg s19  }
0xd: {  	s28 =	simm.s32 $0x5600;
	s29 =	simm.s32 $0x5680;
	[dreg:$0xf] =	wrdreg s21  }
0xe: {  	p0 =	por $0x0, $0x0;
	s6 =	sand.u32 $0x3, s10;
	[dreg:$0x10] =	wrdreg s22  }
0xf: {  	s5 =	sand.u32 $0x1, s5;
	s10 =	sshrl.u32 s10, $0x2;
	[dreg:$0x11] =	wrdreg s24  }
0x10: {  	s3 =	simm.s32 $0x4600;
	s7 =	sshll.u32 s6, $0x1;
	[dreg:$0x12] =	wrdreg s25  }
0x11: {  	s12 =	sshll.u32 s10, $0x8;
	[dreg:$0x13] =	wrdreg s3;
	s18 =	simm.s32 $0x4A80  }
0x12: {  	s11 =	sshll.u32 s10, $0x5;
	s19 =	simm.s32 $0x4B80;
	[dreg:$0x1c] =	wrdreg s18  }
0x13: {  	s13 =	smul.u32 $0x32000, s6;
	s21 =	simm.s32 $0x4C00;
	[dreg:$0x1d] =	wrdreg s19  }
0x14: {  	s15 =	smul.u32 $0xC800, s10;
	s22 =	simm.s32 $0x4C80;
	[dreg:$0x1e] =	wrdreg s21  }
0x15: {  	s24 =	simm.s32 $0x4D80;
	s25 =	simm.s32 $0x4E00;
	[dreg:$0x1f] =	wrdreg s22  }
0x16: {  	s7 =	sor.u32 s5, s7;
	s1 =	sadd.s32 s1, s12;
	[smem:$0x7F1] =	sst s24  }
0x17: {  	s2 =	sadd.s32 s2, s12;
	s12 =	simm.s32 $0x4780;
	[smem:$0x7F2] =	sst s25  }
0x18: {  	s21 =	simm.s32 $0x5300;
	s22 =	simm.s32 $0x5380;
	s24 =	simm.s32 $0x5480  }
0x19: {  	s25 =	simm.s32 $0x5500;
	s18 =	simm.s32 $0x5280;
	s19 =	simm.s32 $0x400  }
0x1a: {  	s8 =	sshll.u32 s7, $0x7;
	[dreg:$0x9] =	wrdreg s1;
	s16 =	sshrl.u32 s13, $0x2  }
0x1b: {  	s17 =	sshrl.u32 s15, $0x2;
	[dreg:$0xb] =	wrdreg s2;
	s23 =	sshll.u32 s7, $0x4  }
0x1c: {  	s7 =	simm.s32 $0x4680;
	[dreg:$0x16] =	wrdreg s12;
	s13 =	simm.s32 $0x4800  }
0x1d: {  	s15 =	simm.s32 $0x4900;
	s12 =	simm.s32 $0x5000;
	[smem:$0x7FB] =	sst s18  }
0x1e: {  	[smem:$0x7FD] =	sst s19;
	s19 =	simm.s32 $0x5880;
	s18 =	simm.s32 $0x5900  }
0x1f: {  	s8 =	sadd.s32 s8, s0;
	s9 =	sadd.s32 s16, s26;
	[dreg:$0x14] =	wrdreg s7  }
0x20: {  	s0 =	sadd.s32 s23, s0;
	s26 =	ssub.s32 $0x2, s5;
	[dreg:$0x17] =	wrdreg s13  }
0x21: {  	s7 =	sshll.u32 s10, $0xC;
	[dreg:$0x19] =	wrdreg s15;
	s16 =	simm.s32 $0x4980  }
0x22: {  	s23 =	simm.s32 $0x4D00;
	[smem:$0x7F6] =	sst s12;
	s13 =	simm.s32 $0x5080  }
0x23: {  	s15 =	simm.s32 $0x5180;
	s12 =	simm.s32 $0x5780;
	s10 =	simm.s32 $0x8D80  }
0x24: {  	s8 =	sadd.s32 s11, s8;
	s1 =	sadd.s32 s17, s9;
	[dreg:$0x1a] =	wrdreg s16  }
0x25: {  	s5 =	sshrl.u32 s26, $0x1;
	s11 =	sshll.u32 s6, $0xE;
	[smem:$0x7F0] =	sst s23  }
0x26: {  	s17 =	simm.s32 $0x4A00;
	s6 =	simm.s32 $0x1;
	[smem:$0x7F7] =	sst s13  }
0x27: {  	s23 =	simm.s32 $0x5400;
	[smem:$0x7F9] =	sst s15;
	s16 =	simm.s32 $0x5200  }
0x28: {  	s15 =	simm.s32 $0x5800;
	s13 =	simm.s32 $0x5A00;
	s14 =	sadd.s32 $0xE00, s8  }
0x29: {  	[dreg:$0xc] =	wrdreg s1;
	s3 =	ssub.s32 s26, s5;
	s8 =	simm.s32 $0x4700  }
0x2a: {  	s5 =	sadd.s32 s11, s4;
	[dreg:$0x1b] =	wrdreg s17;
	s17 =	simm.s32 $0x4B00  }
0x2b: {  	s4 =	simm.s32 $0x80;
	s26 =	simm.s32 $0x4E80;
	[smem:$0x7FA] =	sst s16  }
0x2c: {  	s11 =	simm.s32 $0x4F80;
	s16 =	simm.s32 $0x5980;
	[dreg:$0xa] =	wrdreg s14  }
0x2d: {  	[dreg:$0x15] =	wrdreg s8;
	s14 =	simm.s32 $0x4880;
	s1 =	smax.u32 s3, $0x1  }
0x2e: {  	s2 =	sadd.s32 s7, s5;
	[smem:$0x7F3] =	sst s26;
	p1 =	sne.s32 s1, $0x1  }
.Ltmp0:
0x2f: {  	s8 =	sadd.s32 $0x1A00, s0;
	[smem:$0x7F5] =	sst s11;
	(pc) =	sbr.rel @!p1 .LBB2_5-.Ltmp0, $4  }
0x30: {  	s3 =	simm.s32 $0x3;
	s0 =	simm.s32 $0x4F00;
	[dreg:$0x18] =	wrdreg s14  }
0x31: {  	s26 =	simm.s32 $0x5580;
	[smem:$0x7F4] =	sst s0;
	s14 =	simm.s32 $0x5100  }
0x32: {  	s11 =	simm.s32 $0x5700;
	s7 =	sadd.s32 s7, s8;
	[smem:$0x7F8] =	sst s14  }
0x33: {  	s8 =	simm.s32 $0x2;
	[smem:$0x7FC] =	sst s7;
	s14 =	sadd.s32 $0xFFFFFFFF, s1  }
0x34: {  	s1 =	rddreg [dreg:$0x7]  }
0x35: {  	s0 =	rddreg [dreg:$0x8]  }
0x36: {  	s13 =	rddreg [dreg:$0x9]  }
0x37: {  	[tilespmem:s30], [sflag:$0x1] =	stream.linear.gather [hbm4b:s1+s20], $0x3200, $0x38;
	[tilespmem:$0x9D80] =	vst v63  }
0x38: {  	s7 =	rddreg [dreg:$0xa]  }
0x39: {  	[tilespmem:s31], [sflag:$0x1] =	stream.linear.gather [hbm4b:s0+s20], $0x80, $0x38;
	[tilespmem:$0x9D80] =	vst v63  }
0x3a: {  	[smem:$0x7EF] =	sst s7;
	s0 =	simm.s32 $0x4300  }
0x3b: {  	[tilespmem:s0], [sflag:$0x1] =	stream.linear.gather [hbm4b:s13+s20], $0x800, $0x38;
	[tilespmem:$0x9D80] =	vst v63  }
0x3c: {  	s13 =	sld [smem:$0x7EF];
	_ =	sdelay $0x1  }
0x3d: {  	s7 =	simm.s32 $0x4200  }
0x3e: {  	[tilespmem:s7], [sflag:$0x1] =	stream.linear.gather [hbm4b:s13+s20], $0x100, $0x38;
	[tilespmem:$0x9D80] =	vst v63  }
0x3f: {  	s1 =	rddreg [dreg:$0xb]  }
0x40: {  	[tilespmem:s17], [sflag:$0x1] =	stream.linear.gather [hbm4b:s1+s20], $0x800, $0x38;
	[tilespmem:$0x9D80] =	vst v63  }
0x41: {  	_ =	swait.ge [sflag:s6], $0x3200  }
0x42: {  	[sflag:s6] =	ssyncset.done $0x0  }
0x43: {  	[sflag:s6] =	ssyncadd.s32 $0xFFFFCE00  }
0x44: {  	_ =	swait.ge [sflag:s6], $0x80  }
0x45: {  	[sflag:s6] =	ssyncset.done $0x0  }
0x46: {  	[sflag:s6] =	ssyncadd.s32 $0xFFFFFF80  }
0x47: {  	_ =	swait.ge [sflag:s6], $0x800  }
0x48: {  	[sflag:s6] =	ssyncset.done $0x0  }
0x49: {  	[sflag:s6] =	ssyncadd.s32 $0xFFFFF800  }
0x4a: {  	_ =	swait.ge [sflag:s6], $0x100  }
0x4b: {  	[sflag:s6] =	ssyncset.done $0x0  }
0x4c: {  	[sflag:s6] =	ssyncadd.s32 $0xFFFFFF00  }
0x4d: {  	_ =	swait.ge [sflag:s6], $0x800  }
0x4e: {  	[sflag:s6] =	ssyncset.done $0x0  }
0x4f: {  	s13 =	rddreg [dreg:$0xc];
	[sflag:s6] =	ssyncadd.s32 $0xFFFFF800  }
0x50: {  	[spmem:s13] =	stream.linear.scatter [tilespmem:s30], [sflag:$0x3], $0x3200, $0x38;
	[tilespmem:$0x9D80] =	vst v63  }
0x51: {  	_ =	swait.ge [sflag:s3], $0x3200  }
0x52: {  	[sflag:s3] =	ssyncset.done $0x0  }
0x53: {  	[sflag:s3] =	ssyncadd.s32 $0xFFFFCE00  }
0x54: {  	[bflag:$0x0] =	sbarrier.arrive $0xFFFF  }
0x55: {  	[spmem:s9] =	stream.indirect.scatter.add.f32 [tilespmem:s31], [sflag:$0x1], $0x1, s7, s4, $0xb8;
	[tilespmem:$0x9D80] =	vst v63  }
0x56: {  	s13 =	rddreg [dreg:$0xd]  }
0x57: {  	[spmem:s9] =	stream.indirect.scatter.add.f32 [tilespmem:s31], [sflag:$0x1], $0x1, s13, s4, $0xb8;
	[tilespmem:$0x9D80] =	vst v63  }
0x58: {  	_ = 	snop  }
0x59: {  	[spmem:s2] =	stream.linear.scatter [tilespmem:s30], [sflag:$0x1], $0x1000, $0x38;
	[tilespmem:$0x9D80] =	vst v63  }
0x5a: {  	_ =	swait.ge [sflag:s6], $0x80  }
0x5b: {  	[sflag:s6] =	ssyncset.done $0x0  }
0x5c: {  	[sflag:s6] =	ssyncadd.s32 $0xFFFFFF80  }
0x5d: {  	_ =	swait.ge [sflag:s6], $0x80  }
0x5e: {  	[sflag:s6] =	ssyncset.done $0x0  }
0x5f: {  	[sflag:s6] =	ssyncadd.s32 $0xFFFFFF80  }
0x60: {  	_ =	swait.ge [sflag:s6], $0x1000  }
0x61: {  	[sflag:s6] =	ssyncset.done $0x0  }
0x62: {  	[sflag:s6] =	ssyncadd.s32 $0xFFFFF000  }
0x63: {  	[bflag:$0x0] =	sbarrier.arrive $0xFFFF  }
0x64: {  	[tilespmem:s21], [sflag:$0x1] =	stream.indirect.gather [spmem:s9], $0x1, s0, s4, $0xb8;
	[tilespmem:$0x9D80] =	vst v63  }
0x65: {  	s13 =	rddreg [dreg:$0xe]  }
0x66: {  	[tilespmem:s22], [sflag:$0x1] =	stream.indirect.gather [spmem:s9], $0x1, s13, s4, $0xb8;
	[tilespmem:$0x9D80] =	vst v63  }
0x67: {  	s7 =	rddreg [dreg:$0xf]  }
0x68: {  	[tilespmem:s23], [sflag:$0x1] =	stream.indirect.gather [spmem:s9], $0x1, s7, s4, $0xb8;
	[tilespmem:$0x9D80] =	vst v63  }
0x69: {  	s13 =	rddreg [dreg:$0x10]  }
0x6a: {  	[tilespmem:s24], [sflag:$0x1] =	stream.indirect.gather [spmem:s9], $0x1, s13, s4, $0xb8;
	[tilespmem:$0x9D80] =	vst v63  }
0x6b: {  	s7 =	rddreg [dreg:$0x11]  }
0x6c: {  	[tilespmem:s25], [sflag:$0x1] =	stream.indirect.gather [spmem:s9], $0x1, s7, s4, $0xb8;
	[tilespmem:$0x9D80] =	vst v63  }
0x6d: {  	s13 =	rddreg [dreg:$0x12]  }
0x6e: {  	[tilespmem:s26], [sflag:$0x1] =	stream.indirect.gather [spmem:s9], $0x1, s13, s4, $0xb8;
	[tilespmem:$0x9D80] =	vst v63  }
0x6f: {  	s7 =	rddreg [dreg:$0x13]  }
0x70: {  	[tilespmem:s28], [sflag:$0x1] =	stream.indirect.gather [spmem:s9], $0x1, s7, s4, $0xb8;
	[tilespmem:$0x9D80] =	vst v63  }
0x71: {  	s13 =	rddreg [dreg:$0x14]  }
0x72: {  	[tilespmem:s29], [sflag:$0x1] =	stream.indirect.gather [spmem:s9], $0x1, s13, s4, $0xb8;
	[tilespmem:$0x9D80] =	vst v63  }
0x73: {  	s7 =	rddreg [dreg:$0x15]  }
0x74: {  	[tilespmem:s11], [sflag:$0x2] =	stream.indirect.gather [spmem:s9], $0x1, s7, s4, $0xb8;
	[tilespmem:$0x9D80] =	vst v63  }
0x75: {  	s13 =	rddreg [dreg:$0x16]  }
0x76: {  	[tilespmem:s12], [sflag:$0x2] =	stream.indirect.gather [spmem:s9], $0x1, s13, s4, $0xb8;
	[tilespmem:$0x9D80] =	vst v63  }
0x77: {  	s7 =	rddreg [dreg:$0x17]  }
0x78: {  	[tilespmem:s15], [sflag:$0x2] =	stream.indirect.gather [spmem:s9], $0x1, s7, s4, $0xb8;
	[tilespmem:$0x9D80] =	vst v63  }
0x79: {  	s13 =	rddreg [dreg:$0x18]  }
0x7a: {  	[tilespmem:s19], [sflag:$0x2] =	stream.indirect.gather [spmem:s9], $0x1, s13, s4, $0xb8;
	[tilespmem:$0x9D80] =	vst v63  }
0x7b: {  	s7 =	rddreg [dreg:$0x19]  }
0x7c: {  	[tilespmem:s18], [sflag:$0x2] =	stream.indirect.gather [spmem:s9], $0x1, s7, s4, $0xb8;
	[tilespmem:$0x9D80] =	vst v63  }
0x7d: {  	s13 =	rddreg [dreg:$0x1a]  }
0x7e: {  	[tilespmem:s16], [sflag:$0x2] =	stream.indirect.gather [spmem:s9], $0x1, s13, s4, $0xb8;
	[tilespmem:$0x9D80] =	vst v63  }
0x7f: {  	s7 =	rddreg [dreg:$0x1b];
	s13 =	simm.s32 $0x5A00  }
0x80: {  	[tilespmem:s13], [sflag:$0x2] =	stream.indirect.gather [spmem:s9], $0x1, s7, s4, $0xb8;
	[tilespmem:$0x9D80] =	vst v63  }
0x81: {  	s1 =	rddreg [dreg:$0x1c];
	s7 =	simm.s32 $0x5A80  }
0x82: {  	[tilespmem:s7], [sflag:$0x2] =	stream.indirect.gather [spmem:s9], $0x1, s1, s4, $0xb8;
	[tilespmem:$0x9D80] =	vst v63  }
0x83: {  	_ =	swait.ge [sflag:s6], $0x80  }
0x84: {  	[sflag:s6] =	ssyncset.done $0x0  }
0x85: {  	[sflag:s6] =	ssyncadd.s32 $0xFFFFFF80  }
0x86: {  	_ =	swait.ge [sflag:s6], $0x80  }
0x87: {  	[sflag:s6] =	ssyncset.done $0x0  }
0x88: {  	[sflag:s6] =	ssyncadd.s32 $0xFFFFFF80  }
0x89: {  	_ =	swait.ge [sflag:s6], $0x80  }
0x8a: {  	[sflag:s6] =	ssyncset.done $0x0  }
0x8b: {  	[sflag:s6] =	ssyncadd.s32 $0xFFFFFF80  }
0x8c: {  	_ =	swait.ge [sflag:s6], $0x80  }
0x8d: {  	[sflag:s6] =	ssyncset.done $0x0  }
0x8e: {  	[sflag:s6] =	ssyncadd.s32 $0xFFFFFF80  }
0x8f: {  	_ =	swait.ge [sflag:s6], $0x80  }
0x90: {  	[sflag:s6] =	ssyncset.done $0x0  }
0x91: {  	[sflag:s6] =	ssyncadd.s32 $0xFFFFFF80  }
0x92: {  	_ =	swait.ge [sflag:s6], $0x80  }
0x93: {  	[sflag:s6] =	ssyncset.done $0x0  }
0x94: {  	[sflag:s6] =	ssyncadd.s32 $0xFFFFFF80  }
0x95: {  	_ =	swait.ge [sflag:s6], $0x80  }
0x96: {  	[sflag:s6] =	ssyncset.done $0x0  }
0x97: {  	[sflag:s6] =	ssyncadd.s32 $0xFFFFFF80  }
0x98: {  	_ =	swait.ge [sflag:s6], $0x80  }
0x99: {  	[sflag:s6] =	ssyncset.done $0x0  }
0x9a: {  	s7 =	rddreg [dreg:$0x1d];
	[sflag:s6] =	ssyncadd.s32 $0xFFFFFF80  }
0x9b: {  	[spmem:s5] =	stream.indirect.scatter.add.f32 [tilespmem:s21], [sflag:$0x1], $0x1, s17, s4, $0xb8;
	[tilespmem:$0x9D80] =	vst v63  }
0x9c: {  	s21 =	rddreg [dreg:$0x1e]  }
0x9d: {  	[spmem:s5] =	stream.indirect.scatter.add.f32 [tilespmem:s22], [sflag:$0x1], $0x1, s7, s4, $0xb8;
	[tilespmem:$0x9D80] =	vst v63  }
0x9e: {  	s17 =	rddreg [dreg:$0x1f]  }
0x9f: {  	[spmem:s5] =	stream.indirect.scatter.add.f32 [tilespmem:s23], [sflag:$0x1], $0x1, s21, s4, $0xb8;
	[tilespmem:$0x9D80] =	vst v63  }
0xa0: {  	s21 =	sld [smem:$0x7F0]  }
0xa1: {  	[spmem:s5] =	stream.indirect.scatter.add.f32 [tilespmem:s24], [sflag:$0x1], $0x1, s17, s4, $0xb8;
	[tilespmem:$0x9D80] =	vst v63  }
0xa2: {  	s22 =	sld [smem:$0x7F1]  }
0xa3: {  	[spmem:s5] =	stream.indirect.scatter.add.f32 [tilespmem:s25], [sflag:$0x1], $0x1, s21, s4, $0xb8;
	[tilespmem:$0x9D80] =	vst v63  }
0xa4: {  	s23 =	sld [smem:$0x7F2]  }
0xa5: {  	[spmem:s5] =	stream.indirect.scatter.add.f32 [tilespmem:s26], [sflag:$0x1], $0x1, s22, s4, $0xb8;
	[tilespmem:$0x9D80] =	vst v63  }
0xa6: {  	s24 =	sld [smem:$0x7F3]  }
0xa7: {  	[spmem:s5] =	stream.indirect.scatter.add.f32 [tilespmem:s28], [sflag:$0x1], $0x1, s23, s4, $0xb8;
	[tilespmem:$0x9D80] =	vst v63  }
0xa8: {  	_ = 	snop  }
0xa9: {  	[spmem:s5] =	stream.indirect.scatter.add.f32 [tilespmem:s29], [sflag:$0x1], $0x1, s24, s4, $0xb8;
	[tilespmem:$0x9D80] =	vst v63  }
0xaa: {  	_ =	swait.ge [sflag:s8], $0x80  }
0xab: {  	[sflag:s8] =	ssyncset.done $0x0  }
0xac: {  	[sflag:s8] =	ssyncadd.s32 $0xFFFFFF80  }
0xad: {  	_ =	swait.ge [sflag:s8], $0x80  }
0xae: {  	[sflag:s8] =	ssyncset.done $0x0  }
0xaf: {  	[sflag:s8] =	ssyncadd.s32 $0xFFFFFF80  }
0xb0: {  	_ =	swait.ge [sflag:s8], $0x80  }
0xb1: {  	[sflag:s8] =	ssyncset.done $0x0  }
0xb2: {  	[sflag:s8] =	ssyncadd.s32 $0xFFFFFF80  }
0xb3: {  	_ =	swait.ge [sflag:s8], $0x80  }
0xb4: {  	[sflag:s8] =	ssyncset.done $0x0  }
0xb5: {  	[sflag:s8] =	ssyncadd.s32 $0xFFFFFF80  }
0xb6: {  	_ =	swait.ge [sflag:s8], $0x80  }
0xb7: {  	[sflag:s8] =	ssyncset.done $0x0  }
0xb8: {  	[sflag:s8] =	ssyncadd.s32 $0xFFFFFF80  }
0xb9: {  	_ =	swait.ge [sflag:s8], $0x80  }
0xba: {  	[sflag:s8] =	ssyncset.done $0x0  }
0xbb: {  	[sflag:s8] =	ssyncadd.s32 $0xFFFFFF80  }
0xbc: {  	_ =	swait.ge [sflag:s8], $0x80  }
0xbd: {  	[sflag:s8] =	ssyncset.done $0x0  }
0xbe: {  	[sflag:s8] =	ssyncadd.s32 $0xFFFFFF80  }
0xbf: {  	_ =	swait.ge [sflag:s8], $0x80  }
0xc0: {  	s25 =	sld [smem:$0x7F4]  }
0xc1: {  	[sflag:s8] =	ssyncset.done $0x0  }
0xc2: {  	s26 =	sld [smem:$0x7F5];
	[sflag:s8] =	ssyncadd.s32 $0xFFFFFF80  }
0xc3: {  	[spmem:s5] =	stream.indirect.scatter.add.f32 [tilespmem:s11], [sflag:$0x2], $0x1, s25, s4, $0xb8;
	[tilespmem:$0x9D80] =	vst v63  }
0xc4: {  	s11 =	sld [smem:$0x7F6]  }
0xc5: {  	[spmem:s5] =	stream.indirect.scatter.add.f32 [tilespmem:s12], [sflag:$0x2], $0x1, s26, s4, $0xb8;
	[tilespmem:$0x9D80] =	vst v63  }
0xc6: {  	s17 =	sld [smem:$0x7F7]  }
0xc7: {  	[spmem:s5] =	stream.indirect.scatter.add.f32 [tilespmem:s15], [sflag:$0x2], $0x1, s11, s4, $0xb8;
	[tilespmem:$0x9D80] =	vst v63  }
0xc8: {  	s21 =	sld [smem:$0x7F8]  }
0xc9: {  	[spmem:s5] =	stream.indirect.scatter.add.f32 [tilespmem:s19], [sflag:$0x2], $0x1, s17, s4, $0xb8;
	[tilespmem:$0x9D80] =	vst v63  }
0xca: {  	s22 =	sld [smem:$0x7F9]  }
0xcb: {  	[spmem:s5] =	stream.indirect.scatter.add.f32 [tilespmem:s18], [sflag:$0x2], $0x1, s21, s4, $0xb8;
	[tilespmem:$0x9D80] =	vst v63  }
0xcc: {  	s23 =	sld [smem:$0x7FA]  }
0xcd: {  	[spmem:s5] =	stream.indirect.scatter.add.f32 [tilespmem:s16], [sflag:$0x2], $0x1, s22, s4, $0xb8;
	[tilespmem:$0x9D80] =	vst v63  }
0xce: {  	s24 =	sld [smem:$0x7FB]  }
0xcf: {  	[spmem:s5] =	stream.indirect.scatter.add.f32 [tilespmem:s13], [sflag:$0x2], $0x1, s23, s4, $0xb8;
	[tilespmem:$0x9D80] =	vst v63  }
0xd0: {  	s0 =	simm.s32 $0x5A80  }
0xd1: {  	[spmem:s5] =	stream.indirect.scatter.add.f32 [tilespmem:s0], [sflag:$0x2], $0x1, s24, s4, $0xb8;
	[tilespmem:$0x9D80] =	vst v63  }
0xd2: {  	_ =	swait.ge [sflag:s6], $0x80  }
0xd3: {  	[sflag:s6] =	ssyncset.done $0x0  }
0xd4: {  	[sflag:s6] =	ssyncadd.s32 $0xFFFFFF80  }
0xd5: {  	_ =	swait.ge [sflag:s6], $0x80  }
0xd6: {  	[sflag:s6] =	ssyncset.done $0x0  }
0xd7: {  	[sflag:s6] =	ssyncadd.s32 $0xFFFFFF80  }
0xd8: {  	_ =	swait.ge [sflag:s6], $0x80  }
0xd9: {  	[sflag:s6] =	ssyncset.done $0x0  }
0xda: {  	[sflag:s6] =	ssyncadd.s32 $0xFFFFFF80  }
0xdb: {  	_ =	swait.ge [sflag:s6], $0x80  }
0xdc: {  	[sflag:s6] =	ssyncset.done $0x0  }
0xdd: {  	[sflag:s6] =	ssyncadd.s32 $0xFFFFFF80  }
0xde: {  	_ =	swait.ge [sflag:s6], $0x80  }
0xdf: {  	[sflag:s6] =	ssyncset.done $0x0  }
0xe0: {  	[sflag:s6] =	ssyncadd.s32 $0xFFFFFF80  }
0xe1: {  	_ =	swait.ge [sflag:s6], $0x80  }
0xe2: {  	[sflag:s6] =	ssyncset.done $0x0  }
0xe3: {  	[sflag:s6] =	ssyncadd.s32 $0xFFFFFF80  }
0xe4: {  	_ =	swait.ge [sflag:s6], $0x80  }
0xe5: {  	[sflag:s6] =	ssyncset.done $0x0  }
0xe6: {  	[sflag:s6] =	ssyncadd.s32 $0xFFFFFF80  }
0xe7: {  	_ =	swait.ge [sflag:s6], $0x80  }
0xe8: {  	[sflag:s6] =	ssyncset.done $0x0  }
0xe9: {  	[sflag:s6] =	ssyncadd.s32 $0xFFFFFF80  }
0xea: {  	_ =	swait.ge [sflag:s8], $0x80  }
0xeb: {  	[sflag:s8] =	ssyncset.done $0x0  }
0xec: {  	[sflag:s8] =	ssyncadd.s32 $0xFFFFFF80  }
0xed: {  	_ =	swait.ge [sflag:s8], $0x80  }
0xee: {  	[sflag:s8] =	ssyncset.done $0x0  }
0xef: {  	[sflag:s8] =	ssyncadd.s32 $0xFFFFFF80  }
0xf0: {  	_ =	swait.ge [sflag:s8], $0x80  }
0xf1: {  	[sflag:s8] =	ssyncset.done $0x0  }
0xf2: {  	[sflag:s8] =	ssyncadd.s32 $0xFFFFFF80  }
0xf3: {  	_ =	swait.ge [sflag:s8], $0x80  }
0xf4: {  	[sflag:s8] =	ssyncset.done $0x0  }
0xf5: {  	[sflag:s8] =	ssyncadd.s32 $0xFFFFFF80  }
0xf6: {  	_ =	swait.ge [sflag:s8], $0x80  }
0xf7: {  	[sflag:s8] =	ssyncset.done $0x0  }
0xf8: {  	[sflag:s8] =	ssyncadd.s32 $0xFFFFFF80  }
0xf9: {  	_ =	swait.ge [sflag:s8], $0x80  }
0xfa: {  	[sflag:s8] =	ssyncset.done $0x0  }
0xfb: {  	[sflag:s8] =	ssyncadd.s32 $0xFFFFFF80  }
0xfc: {  	_ =	swait.ge [sflag:s8], $0x80  }
0xfd: {  	[sflag:s8] =	ssyncset.done $0x0  }
0xfe: {  	[sflag:s8] =	ssyncadd.s32 $0xFFFFFF80  }
0xff: {  	p1 =	sne.s32 s14, $0x1;
	_ =	swait.ge [sflag:s8], $0x80  }
0x100: {  	p0 =	por $0x1, $0x1;
	s1 =	sadd.s32 $0xFFFFFFFF, s14;
	[sflag:s8] =	ssyncset.done $0x0  }
0x101: {  	s14 =	simm.s32 $0x5A00;
	s28 =	simm.s32 $0x5580;
	[sflag:s8] =	ssyncadd.s32 $0xFFFFFF80  }
0x102: {  	s29 =	simm.s32 $0x5600;
	s15 =	simm.s32 $0x5A80;
	[bflag:$0x0] =	sbarrier.arrive $0xFFFF  }
0x103: {  	[tilespmem:s10], [sflag:$0x3] =	stream.linear.gather [spmem:s2], $0x1000, $0x38;
	[tilespmem:$0x9D80] =	vst v63  }
0x104: {  	s19 =	simm.s32 $0x5900;
	s17 =	simm.s32 $0x5980;
	_ =	swait.ge [sflag:s3], $0x1000  }
0x105: {  	s21 =	simm.s32 $0x5880;
	s18 =	simm.s32 $0x4B00;
	s25 =	sld [smem:$0x7FC]  }
.Ltmp1:
0x106: {  	s22 =	simm.s32 $0x5300;
	s26 =	sld [smem:$0x7FD];
	(pc) =	sbr.rel @!p1 .LBB2_6-.Ltmp1, $4  }
0x107: {  	s16 =	simm.s32 $0x5800;
	s23 =	simm.s32 $0x5380;
	[sflag:s3] =	ssyncset.done $0x0  }
0x108: {  	s0 =	simm.s32 $0x5680;
	s24 =	simm.s32 $0x5400;
	[sflag:s3] =	ssyncadd.s32 $0xFFFFF000  }
0x109: {  	[hbm4b:s25+s4] =	stream.strided.scatter [tilespmem:s10], [sflag:$0x3], $0x1000, s26, s4, $0x38;
	[tilespmem:$0x9D80] =	vst v63  }
0x10a: {  	s26 =	simm.s32 $0x5500;
	s25 =	simm.s32 $0x5480;
	_ =	swait.ge [sflag:s3], $0x1000  }
0x10b: {  	s11 =	simm.s32 $0x8D80  }
.LBB2_3:
0x10c: {  	[sflag:s3] =	ssyncset.done $0x0  }
0x10d: {  	s7 =	rddreg [dreg:$0x7];
	[sflag:s3] =	ssyncadd.s32 $0xFFFFF000  }
0x10e: {  	[tilespmem:s30], [sflag:$0x1] =	stream.linear.gather [hbm4b:s7+s20], $0x3200, $0x38;
	[tilespmem:$0x9D80] =	vst v63  }
0x10f: {  	s10 =	rddreg [dreg:$0x8]  }
0x110: {  	[tilespmem:s31], [sflag:$0x1] =	stream.linear.gather [hbm4b:s10+s20], $0x80, $0x38;
	[tilespmem:$0x9D80] =	vst v63  }
0x111: {  	s12 =	rddreg [dreg:$0x9];
	s30 =	simm.s32 $0x4300  }
0x112: {  	[tilespmem:s30], [sflag:$0x1] =	stream.linear.gather [hbm4b:s12+s20], $0x800, $0x38;
	[tilespmem:$0x9D80] =	vst v63  }
0x113: {  	s10 =	rddreg [dreg:$0xa];
	s12 =	simm.s32 $0x4200  }
0x114: {  	[tilespmem:s12], [sflag:$0x1] =	stream.linear.gather [hbm4b:s10+s20], $0x100, $0x38;
	[tilespmem:$0x9D80] =	vst v63  }
0x115: {  	s7 =	rddreg [dreg:$0xb]  }
0x116: {  	[tilespmem:s18], [sflag:$0x1] =	stream.linear.gather [hbm4b:s7+s20], $0x800, $0x38;
	[tilespmem:$0x9D80] =	vst v63  }
0x117: {  	_ =	swait.ge [sflag:s6], $0x3200  }
0x118: {  	[sflag:s6] =	ssyncset.done $0x0  }
0x119: {  	[sflag:s6] =	ssyncadd.s32 $0xFFFFCE00  }
0x11a: {  	_ =	swait.ge [sflag:s6], $0x80  }
0x11b: {  	[sflag:s6] =	ssyncset.done $0x0  }
0x11c: {  	[sflag:s6] =	ssyncadd.s32 $0xFFFFFF80  }
0x11d: {  	_ =	swait.ge [sflag:s6], $0x800  }
0x11e: {  	[sflag:s6] =	ssyncset.done $0x0  }
0x11f: {  	[sflag:s6] =	ssyncadd.s32 $0xFFFFF800  }
0x120: {  	_ =	swait.ge [sflag:s6], $0x100  }
0x121: {  	[sflag:s6] =	ssyncset.done $0x0  }
0x122: {  	[sflag:s6] =	ssyncadd.s32 $0xFFFFFF00  }
0x123: {  	_ =	swait.ge [sflag:s6], $0x800  }
0x124: {  	[sflag:s6] =	ssyncset.done $0x0  }
0x125: {  	s31 =	simm.s32 $0x5B80;
	s10 =	rddreg [dreg:$0xc];
	[sflag:s6] =	ssyncadd.s32 $0xFFFFF800  }
0x126: {  	[spmem:s10] =	stream.linear.scatter [tilespmem:s31], [sflag:$0x3], $0x3200, $0x38;
	[tilespmem:$0x9D80] =	vst v63  }
0x127: {  	_ =	swait.ge [sflag:s3], $0x3200  }
0x128: {  	[sflag:s3] =	ssyncset.done $0x0  }
0x129: {  	[sflag:s3] =	ssyncadd.s32 $0xFFFFCE00  }
0x12a: {  	s13 =	simm.s32 $0x5B00;
	[bflag:$0x0] =	sbarrier.arrive $0xFFFF  }
0x12b: {  	[spmem:s9] =	stream.indirect.scatter.add.f32 [tilespmem:s13], [sflag:$0x1], $0x1, s12, s4, $0xb8;
	[tilespmem:$0x9D80] =	vst v63  }
0x12c: {  	s10 =	rddreg [dreg:$0xd]  }
0x12d: {  	[spmem:s9] =	stream.indirect.scatter.add.f32 [tilespmem:s13], [sflag:$0x1], $0x1, s10, s4, $0xb8;
	[tilespmem:$0x9D80] =	vst v63  }
0x12e: {  	_ = 	snop  }
0x12f: {  	[spmem:s2] =	stream.linear.scatter [tilespmem:s31], [sflag:$0x1], $0x1000, $0x38;
	[tilespmem:$0x9D80] =	vst v63  }
0x130: {  	_ =	swait.ge [sflag:s6], $0x80  }
0x131: {  	[sflag:s6] =	ssyncset.done $0x0  }
0x132: {  	[sflag:s6] =	ssyncadd.s32 $0xFFFFFF80  }
0x133: {  	_ =	swait.ge [sflag:s6], $0x80  }
0x134: {  	[sflag:s6] =	ssyncset.done $0x0  }
0x135: {  	[sflag:s6] =	ssyncadd.s32 $0xFFFFFF80  }
0x136: {  	_ =	swait.ge [sflag:s6], $0x1000  }
0x137: {  	[sflag:s6] =	ssyncset.done $0x0  }
0x138: {  	[sflag:s6] =	ssyncadd.s32 $0xFFFFF000  }
0x139: {  	[bflag:$0x0] =	sbarrier.arrive $0xFFFF  }
0x13a: {  	[tilespmem:s22], [sflag:$0x1] =	stream.indirect.gather [spmem:s9], $0x1, s30, s4, $0xb8;
	[tilespmem:$0x9D80] =	vst v63  }
0x13b: {  	s10 =	rddreg [dreg:$0xe]  }
0x13c: {  	[tilespmem:s23], [sflag:$0x1] =	stream.indirect.gather [spmem:s9], $0x1, s10, s4, $0xb8;
	[tilespmem:$0x9D80] =	vst v63  }
0x13d: {  	s12 =	rddreg [dreg:$0xf]  }
0x13e: {  	[tilespmem:s24], [sflag:$0x1] =	stream.indirect.gather [spmem:s9], $0x1, s12, s4, $0xb8;
	[tilespmem:$0x9D80] =	vst v63  }
0x13f: {  	s13 =	rddreg [dreg:$0x10]  }
0x140: {  	[tilespmem:s25], [sflag:$0x1] =	stream.indirect.gather [spmem:s9], $0x1, s13, s4, $0xb8;
	[tilespmem:$0x9D80] =	vst v63  }
0x141: {  	s12 =	rddreg [dreg:$0x11]  }
0x142: {  	[tilespmem:s26], [sflag:$0x1] =	stream.indirect.gather [spmem:s9], $0x1, s12, s4, $0xb8;
	[tilespmem:$0x9D80] =	vst v63  }
0x143: {  	s13 =	rddreg [dreg:$0x12]  }
0x144: {  	[tilespmem:s28], [sflag:$0x1] =	stream.indirect.gather [spmem:s9], $0x1, s13, s4, $0xb8;
	[tilespmem:$0x9D80] =	vst v63  }
0x145: {  	s12 =	rddreg [dreg:$0x13]  }
0x146: {  	[tilespmem:s29], [sflag:$0x1] =	stream.indirect.gather [spmem:s9], $0x1, s12, s4, $0xb8;
	[tilespmem:$0x9D80] =	vst v63  }
0x147: {  	s13 =	rddreg [dreg:$0x14]  }
0x148: {  	[tilespmem:s0], [sflag:$0x1] =	stream.indirect.gather [spmem:s9], $0x1, s13, s4, $0xb8;
	[tilespmem:$0x9D80] =	vst v63  }
0x149: {  	s12 =	rddreg [dreg:$0x15];
	s13 =	simm.s32 $0x5700  }
0x14a: {  	[tilespmem:s13], [sflag:$0x2] =	stream.indirect.gather [spmem:s9], $0x1, s12, s4, $0xb8;
	[tilespmem:$0x9D80] =	vst v63  }
0x14b: {  	s7 =	rddreg [dreg:$0x16];
	s12 =	simm.s32 $0x5780  }
0x14c: {  	[tilespmem:s12], [sflag:$0x2] =	stream.indirect.gather [spmem:s9], $0x1, s7, s4, $0xb8;
	[tilespmem:$0x9D80] =	vst v63  }
0x14d: {  	s10 =	rddreg [dreg:$0x17]  }
0x14e: {  	[tilespmem:s16], [sflag:$0x2] =	stream.indirect.gather [spmem:s9], $0x1, s10, s4, $0xb8;
	[tilespmem:$0x9D80] =	vst v63  }
0x14f: {  	s7 =	rddreg [dreg:$0x18]  }
0x150: {  	[tilespmem:s21], [sflag:$0x2] =	stream.indirect.gather [spmem:s9], $0x1, s7, s4, $0xb8;
	[tilespmem:$0x9D80] =	vst v63  }
0x151: {  	s10 =	rddreg [dreg:$0x19]  }
0x152: {  	[tilespmem:s19], [sflag:$0x2] =	stream.indirect.gather [spmem:s9], $0x1, s10, s4, $0xb8;
	[tilespmem:$0x9D80] =	vst v63  }
0x153: {  	s7 =	rddreg [dreg:$0x1a]  }
0x154: {  	[tilespmem:s17], [sflag:$0x2] =	stream.indirect.gather [spmem:s9], $0x1, s7, s4, $0xb8;
	[tilespmem:$0x9D80] =	vst v63  }
0x155: {  	s10 =	rddreg [dreg:$0x1b]  }
0x156: {  	[tilespmem:s14], [sflag:$0x2] =	stream.indirect.gather [spmem:s9], $0x1, s10, s4, $0xb8;
	[tilespmem:$0x9D80] =	vst v63  }
0x157: {  	s7 =	rddreg [dreg:$0x1c]  }
0x158: {  	[tilespmem:s15], [sflag:$0x2] =	stream.indirect.gather [spmem:s9], $0x1, s7, s4, $0xb8;
	[tilespmem:$0x9D80] =	vst v63  }
0x159: {  	_ =	swait.ge [sflag:s6], $0x80  }
0x15a: {  	[sflag:s6] =	ssyncset.done $0x0  }
0x15b: {  	[sflag:s6] =	ssyncadd.s32 $0xFFFFFF80  }
0x15c: {  	_ =	swait.ge [sflag:s6], $0x80  }
0x15d: {  	[sflag:s6] =	ssyncset.done $0x0  }
0x15e: {  	[sflag:s6] =	ssyncadd.s32 $0xFFFFFF80  }
0x15f: {  	_ =	swait.ge [sflag:s6], $0x80  }
0x160: {  	[sflag:s6] =	ssyncset.done $0x0  }
0x161: {  	[sflag:s6] =	ssyncadd.s32 $0xFFFFFF80  }
0x162: {  	_ =	swait.ge [sflag:s6], $0x80  }
0x163: {  	[sflag:s6] =	ssyncset.done $0x0  }
0x164: {  	[sflag:s6] =	ssyncadd.s32 $0xFFFFFF80  }
0x165: {  	_ =	swait.ge [sflag:s6], $0x80  }
0x166: {  	[sflag:s6] =	ssyncset.done $0x0  }
0x167: {  	[sflag:s6] =	ssyncadd.s32 $0xFFFFFF80  }
0x168: {  	_ =	swait.ge [sflag:s6], $0x80  }
0x169: {  	[sflag:s6] =	ssyncset.done $0x0  }
0x16a: {  	[sflag:s6] =	ssyncadd.s32 $0xFFFFFF80  }
0x16b: {  	_ =	swait.ge [sflag:s6], $0x80  }
0x16c: {  	[sflag:s6] =	ssyncset.done $0x0  }
0x16d: {  	[sflag:s6] =	ssyncadd.s32 $0xFFFFFF80  }
0x16e: {  	_ =	swait.ge [sflag:s6], $0x80  }
0x16f: {  	[sflag:s6] =	ssyncset.done $0x0  }
0x170: {  	s7 =	rddreg [dreg:$0x1d];
	[sflag:s6] =	ssyncadd.s32 $0xFFFFFF80  }
0x171: {  	[spmem:s5] =	stream.indirect.scatter.add.f32 [tilespmem:s22], [sflag:$0x1], $0x1, s18, s4, $0xb8;
	[tilespmem:$0x9D80] =	vst v63  }
0x172: {  	s10 =	rddreg [dreg:$0x1e]  }
0x173: {  	[spmem:s5] =	stream.indirect.scatter.add.f32 [tilespmem:s23], [sflag:$0x1], $0x1, s7, s4, $0xb8;
	[tilespmem:$0x9D80] =	vst v63  }
0x174: {  	s7 =	rddreg [dreg:$0x1f]  }
0x175: {  	[spmem:s5] =	stream.indirect.scatter.add.f32 [tilespmem:s24], [sflag:$0x1], $0x1, s10, s4, $0xb8;
	[tilespmem:$0x9D80] =	vst v63  }
0x176: {  	s10 =	sld [smem:$0x7F0]  }
0x177: {  	[spmem:s5] =	stream.indirect.scatter.add.f32 [tilespmem:s25], [sflag:$0x1], $0x1, s7, s4, $0xb8;
	[tilespmem:$0x9D80] =	vst v63  }
0x178: {  	s7 =	sld [smem:$0x7F1]  }
0x179: {  	[spmem:s5] =	stream.indirect.scatter.add.f32 [tilespmem:s26], [sflag:$0x1], $0x1, s10, s4, $0xb8;
	[tilespmem:$0x9D80] =	vst v63  }
0x17a: {  	s10 =	sld [smem:$0x7F2]  }
0x17b: {  	[spmem:s5] =	stream.indirect.scatter.add.f32 [tilespmem:s28], [sflag:$0x1], $0x1, s7, s4, $0xb8;
	[tilespmem:$0x9D80] =	vst v63  }
0x17c: {  	s7 =	sld [smem:$0x7F3]  }
0x17d: {  	[spmem:s5] =	stream.indirect.scatter.add.f32 [tilespmem:s29], [sflag:$0x1], $0x1, s10, s4, $0xb8;
	[tilespmem:$0x9D80] =	vst v63  }
0x17e: {  	_ = 	snop  }
0x17f: {  	[spmem:s5] =	stream.indirect.scatter.add.f32 [tilespmem:s0], [sflag:$0x1], $0x1, s7, s4, $0xb8;
	[tilespmem:$0x9D80] =	vst v63  }
0x180: {  	_ =	swait.ge [sflag:s8], $0x80  }
0x181: {  	[sflag:s8] =	ssyncset.done $0x0  }
0x182: {  	[sflag:s8] =	ssyncadd.s32 $0xFFFFFF80  }
0x183: {  	_ =	swait.ge [sflag:s8], $0x80  }
0x184: {  	[sflag:s8] =	ssyncset.done $0x0  }
0x185: {  	[sflag:s8] =	ssyncadd.s32 $0xFFFFFF80  }
0x186: {  	_ =	swait.ge [sflag:s8], $0x80  }
0x187: {  	[sflag:s8] =	ssyncset.done $0x0  }
0x188: {  	[sflag:s8] =	ssyncadd.s32 $0xFFFFFF80  }
0x189: {  	_ =	swait.ge [sflag:s8], $0x80  }
0x18a: {  	[sflag:s8] =	ssyncset.done $0x0  }
0x18b: {  	[sflag:s8] =	ssyncadd.s32 $0xFFFFFF80  }
0x18c: {  	_ =	swait.ge [sflag:s8], $0x80  }
0x18d: {  	[sflag:s8] =	ssyncset.done $0x0  }
0x18e: {  	[sflag:s8] =	ssyncadd.s32 $0xFFFFFF80  }
0x18f: {  	_ =	swait.ge [sflag:s8], $0x80  }
0x190: {  	[sflag:s8] =	ssyncset.done $0x0  }
0x191: {  	[sflag:s8] =	ssyncadd.s32 $0xFFFFFF80  }
0x192: {  	_ =	swait.ge [sflag:s8], $0x80  }
0x193: {  	[sflag:s8] =	ssyncset.done $0x0  }
0x194: {  	[sflag:s8] =	ssyncadd.s32 $0xFFFFFF80  }
0x195: {  	_ =	swait.ge [sflag:s8], $0x80  }
0x196: {  	s7 =	sld [smem:$0x7F4]  }
0x197: {  	[sflag:s8] =	ssyncset.done $0x0  }
0x198: {  	s10 =	sld [smem:$0x7F5];
	[sflag:s8] =	ssyncadd.s32 $0xFFFFFF80  }
0x199: {  	[spmem:s5] =	stream.indirect.scatter.add.f32 [tilespmem:s13], [sflag:$0x2], $0x1, s7, s4, $0xb8;
	[tilespmem:$0x9D80] =	vst v63  }
0x19a: {  	s7 =	sld [smem:$0x7F6]  }
0x19b: {  	[spmem:s5] =	stream.indirect.scatter.add.f32 [tilespmem:s12], [sflag:$0x2], $0x1, s10, s4, $0xb8;
	[tilespmem:$0x9D80] =	vst v63  }
0x19c: {  	s13 =	sld [smem:$0x7F7]  }
0x19d: {  	[spmem:s5] =	stream.indirect.scatter.add.f32 [tilespmem:s16], [sflag:$0x2], $0x1, s7, s4, $0xb8;
	[tilespmem:$0x9D80] =	vst v63  }
0x19e: {  	s12 =	sld [smem:$0x7F8]  }
0x19f: {  	[spmem:s5] =	stream.indirect.scatter.add.f32 [tilespmem:s21], [sflag:$0x2], $0x1, s13, s4, $0xb8;
	[tilespmem:$0x9D80] =	vst v63  }
0x1a0: {  	s13 =	sld [smem:$0x7F9]  }
0x1a1: {  	[spmem:s5] =	stream.indirect.scatter.add.f32 [tilespmem:s19], [sflag:$0x2], $0x1, s12, s4, $0xb8;
	[tilespmem:$0x9D80] =	vst v63  }
0x1a2: {  	s12 =	sld [smem:$0x7FA]  }
0x1a3: {  	[spmem:s5] =	stream.indirect.scatter.add.f32 [tilespmem:s17], [sflag:$0x2], $0x1, s13, s4, $0xb8;
	[tilespmem:$0x9D80] =	vst v63  }
0x1a4: {  	s13 =	sld [smem:$0x7FB]  }
0x1a5: {  	[spmem:s5] =	stream.indirect.scatter.add.f32 [tilespmem:s14], [sflag:$0x2], $0x1, s12, s4, $0xb8;
	[tilespmem:$0x9D80] =	vst v63  }
0x1a6: {  	_ = 	snop  }
0x1a7: {  	[spmem:s5] =	stream.indirect.scatter.add.f32 [tilespmem:s15], [sflag:$0x2], $0x1, s13, s4, $0xb8;
	[tilespmem:$0x9D80] =	vst v63  }
0x1a8: {  	_ =	swait.ge [sflag:s6], $0x80  }
0x1a9: {  	[sflag:s6] =	ssyncset.done $0x0  }
0x1aa: {  	[sflag:s6] =	ssyncadd.s32 $0xFFFFFF80  }
0x1ab: {  	_ =	swait.ge [sflag:s6], $0x80  }
0x1ac: {  	[sflag:s6] =	ssyncset.done $0x0  }
0x1ad: {  	[sflag:s6] =	ssyncadd.s32 $0xFFFFFF80  }
0x1ae: {  	_ =	swait.ge [sflag:s6], $0x80  }
0x1af: {  	[sflag:s6] =	ssyncset.done $0x0  }
0x1b0: {  	[sflag:s6] =	ssyncadd.s32 $0xFFFFFF80  }
0x1b1: {  	_ =	swait.ge [sflag:s6], $0x80  }
0x1b2: {  	[sflag:s6] =	ssyncset.done $0x0  }
0x1b3: {  	[sflag:s6] =	ssyncadd.s32 $0xFFFFFF80  }
0x1b4: {  	_ =	swait.ge [sflag:s6], $0x80  }
0x1b5: {  	[sflag:s6] =	ssyncset.done $0x0  }
0x1b6: {  	[sflag:s6] =	ssyncadd.s32 $0xFFFFFF80  }
0x1b7: {  	_ =	swait.ge [sflag:s6], $0x80  }
0x1b8: {  	[sflag:s6] =	ssyncset.done $0x0  }
0x1b9: {  	[sflag:s6] =	ssyncadd.s32 $0xFFFFFF80  }
0x1ba: {  	_ =	swait.ge [sflag:s6], $0x80  }
0x1bb: {  	[sflag:s6] =	ssyncset.done $0x0  }
0x1bc: {  	[sflag:s6] =	ssyncadd.s32 $0xFFFFFF80  }
0x1bd: {  	_ =	swait.ge [sflag:s6], $0x80  }
0x1be: {  	[sflag:s6] =	ssyncset.done $0x0  }
0x1bf: {  	[sflag:s6] =	ssyncadd.s32 $0xFFFFFF80  }
0x1c0: {  	_ =	swait.ge [sflag:s8], $0x80  }
0x1c1: {  	[sflag:s8] =	ssyncset.done $0x0  }
0x1c2: {  	[sflag:s8] =	ssyncadd.s32 $0xFFFFFF80  }
0x1c3: {  	_ =	swait.ge [sflag:s8], $0x80  }
0x1c4: {  	[sflag:s8] =	ssyncset.done $0x0  }
0x1c5: {  	[sflag:s8] =	ssyncadd.s32 $0xFFFFFF80  }
0x1c6: {  	_ =	swait.ge [sflag:s8], $0x80  }
0x1c7: {  	[sflag:s8] =	ssyncset.done $0x0  }
0x1c8: {  	[sflag:s8] =	ssyncadd.s32 $0xFFFFFF80  }
0x1c9: {  	_ =	swait.ge [sflag:s8], $0x80  }
0x1ca: {  	[sflag:s8] =	ssyncset.done $0x0  }
0x1cb: {  	[sflag:s8] =	ssyncadd.s32 $0xFFFFFF80  }
0x1cc: {  	_ =	swait.ge [sflag:s8], $0x80  }
0x1cd: {  	[sflag:s8] =	ssyncset.done $0x0  }
0x1ce: {  	[sflag:s8] =	ssyncadd.s32 $0xFFFFFF80  }
0x1cf: {  	_ =	swait.ge [sflag:s8], $0x80  }
0x1d0: {  	[sflag:s8] =	ssyncset.done $0x0  }
0x1d1: {  	[sflag:s8] =	ssyncadd.s32 $0xFFFFFF80  }
0x1d2: {  	_ =	swait.ge [sflag:s8], $0x80  }
0x1d3: {  	[sflag:s8] =	ssyncset.done $0x0  }
0x1d4: {  	[sflag:s8] =	ssyncadd.s32 $0xFFFFFF80  }
0x1d5: {  	_ =	swait.ge [sflag:s8], $0x80  }
0x1d6: {  	[sflag:s8] =	ssyncset.done $0x0  }
0x1d7: {  	[sflag:s8] =	ssyncadd.s32 $0xFFFFFF80  }
0x1d8: {  	[bflag:$0x0] =	sbarrier.arrive $0xFFFF  }
0x1d9: {  	[tilespmem:s11], [sflag:$0x3] =	stream.linear.gather [spmem:s2], $0x1000, $0x38;
	[tilespmem:$0x9D80] =	vst v63  }
0x1da: {  	_ =	swait.ge [sflag:s3], $0x1000  }
0x1db: {  	p1 =	sne.s32 s1, $0x1;
	s12 =	sld [smem:$0x7FC]  }
.Ltmp2:
0x1dc: {  	s13 =	sld [smem:$0x7FD];
	(pc) =	sbr.rel @p1 .LBB2_3-.Ltmp2, $4  }
0x1dd: {  	[sflag:s3] =	ssyncset.done $0x0  }
0x1de: {  	s1 =	sadd.s32 $0xFFFFFFFF, s1;
	s31 =	simm.s32 $0x5B00;
	[sflag:s3] =	ssyncadd.s32 $0xFFFFF000  }
0x1df: {  	[hbm4b:s12+s4] =	stream.strided.scatter [tilespmem:s11], [sflag:$0x3], $0x1000, s13, s4, $0x38;
	[tilespmem:$0x9D80] =	vst v63  }
0x1e0: {  	s30 =	simm.s32 $0x5B80;
	s10 =	simm.s32 $0x8D80;
	_ =	swait.ge [sflag:s3], $0x1000  }
0x1e1: {  	s11 =	simm.s32 $0x5700  }
0x1e2: {  	s12 =	simm.s32 $0x5780;
	s13 =	simm.s32 $0x5A00;
	s15 =	simm.s32 $0x5800  }
0x1e3: {  	s16 =	simm.s32 $0x5980;
	s17 =	simm.s32 $0x4B00;
	s18 =	simm.s32 $0x5900  }
0x1e4: {  	s19 =	simm.s32 $0x5880;
	s21 =	simm.s32 $0x5300;
	s22 =	simm.s32 $0x5380  }
0x1e5: {  	s23 =	simm.s32 $0x5400;
	s24 =	simm.s32 $0x5480;
	s25 =	simm.s32 $0x5500  }
0x1e6: {  	s26 =	simm.s32 $0x5580;
	s28 =	simm.s32 $0x5600;
	s29 =	simm.s32 $0x5680  }
.LBB2_5:
0x1e7: {  	[sflag:s3] =	ssyncset.done @p0 $0x0  }
0x1e8: {  	s1 =	rddreg [dreg:$0x7];
	[sflag:s3] =	ssyncadd.s32 @p0 $0xFFFFF000  }
0x1e9: {  	[tilespmem:s30], [sflag:$0x1] =	stream.linear.gather [hbm4b:s1+s20], $0x3200, $0x38;
	[tilespmem:$0x9D80] =	vst v63  }
0x1ea: {  	s7 =	rddreg [dreg:$0x8]  }
0x1eb: {  	[tilespmem:s31], [sflag:$0x1] =	stream.linear.gather [hbm4b:s7+s20], $0x80, $0x38;
	[tilespmem:$0x9D80] =	vst v63  }
0x1ec: {  	s14 =	rddreg [dreg:$0x9];
	s30 =	simm.s32 $0x4300  }
0x1ed: {  	[tilespmem:s30], [sflag:$0x1] =	stream.linear.gather [hbm4b:s14+s20], $0x800, $0x38;
	[tilespmem:$0x9D80] =	vst v63  }
0x1ee: {  	s7 =	rddreg [dreg:$0xa];
	s14 =	simm.s32 $0x4200  }
0x1ef: {  	[tilespmem:s14], [sflag:$0x1] =	stream.linear.gather [hbm4b:s7+s20], $0x100, $0x38;
	[tilespmem:$0x9D80] =	vst v63  }
0x1f0: {  	s1 =	rddreg [dreg:$0xb]  }
0x1f1: {  	[tilespmem:s17], [sflag:$0x1] =	stream.linear.gather [hbm4b:s1+s20], $0x800, $0x38;
	[tilespmem:$0x9D80] =	vst v63  }
0x1f2: {  	_ =	swait.ge [sflag:s6], $0x3200  }
0x1f3: {  	[sflag:s6] =	ssyncset.done $0x0  }
0x1f4: {  	[sflag:s6] =	ssyncadd.s32 $0xFFFFCE00  }
0x1f5: {  	_ =	swait.ge [sflag:s6], $0x80  }
0x1f6: {  	[sflag:s6] =	ssyncset.done $0x0  }
0x1f7: {  	[sflag:s6] =	ssyncadd.s32 $0xFFFFFF80  }
0x1f8: {  	_ =	swait.ge [sflag:s6], $0x800  }
0x1f9: {  	[sflag:s6] =	ssyncset.done $0x0  }
0x1fa: {  	[sflag:s6] =	ssyncadd.s32 $0xFFFFF800  }
0x1fb: {  	_ =	swait.ge [sflag:s6], $0x100  }
0x1fc: {  	[sflag:s6] =	ssyncset.done $0x0  }
0x1fd: {  	[sflag:s6] =	ssyncadd.s32 $0xFFFFFF00  }
0x1fe: {  	_ =	swait.ge [sflag:s6], $0x800  }
0x1ff: {  	[sflag:s6] =	ssyncset.done $0x0  }
0x200: {  	s0 =	simm.s32 $0x5B80;
	s20 =	rddreg [dreg:$0xc];
	[sflag:s6] =	ssyncadd.s32 $0xFFFFF800  }
0x201: {  	[spmem:s20] =	stream.linear.scatter [tilespmem:s0], [sflag:$0x3], $0x3200, $0x38;
	[tilespmem:$0x9D80] =	vst v63  }
0x202: {  	_ =	swait.ge [sflag:s3], $0x3200  }
0x203: {  	[sflag:s3] =	ssyncset.done $0x0  }
0x204: {  	[sflag:s3] =	ssyncadd.s32 $0xFFFFCE00  }
0x205: {  	[bflag:$0x0] =	sbarrier.arrive $0xFFFF  }
0x206: {  	[spmem:s9] =	stream.indirect.scatter.add.f32 [tilespmem:s31], [sflag:$0x1], $0x1, s14, s4, $0xb8;
	[tilespmem:$0x9D80] =	vst v63  }
0x207: {  	s7 =	rddreg [dreg:$0xd]  }
0x208: {  	[spmem:s9] =	stream.indirect.scatter.add.f32 [tilespmem:s31], [sflag:$0x1], $0x1, s7, s4, $0xb8;
	[tilespmem:$0x9D80] =	vst v63  }
0x209: {  	_ = 	snop  }
0x20a: {  	[spmem:s2] =	stream.linear.scatter [tilespmem:s0], [sflag:$0x1], $0x1000, $0x38;
	[tilespmem:$0x9D80] =	vst v63  }
0x20b: {  	_ =	swait.ge [sflag:s6], $0x80  }
0x20c: {  	[sflag:s6] =	ssyncset.done $0x0  }
0x20d: {  	[sflag:s6] =	ssyncadd.s32 $0xFFFFFF80  }
0x20e: {  	_ =	swait.ge [sflag:s6], $0x80  }
0x20f: {  	[sflag:s6] =	ssyncset.done $0x0  }
0x210: {  	[sflag:s6] =	ssyncadd.s32 $0xFFFFFF80  }
0x211: {  	_ =	swait.ge [sflag:s6], $0x1000  }
0x212: {  	[sflag:s6] =	ssyncset.done $0x0  }
0x213: {  	[sflag:s6] =	ssyncadd.s32 $0xFFFFF000  }
0x214: {  	[bflag:$0x0] =	sbarrier.arrive $0xFFFF  }
0x215: {  	[tilespmem:s21], [sflag:$0x1] =	stream.indirect.gather [spmem:s9], $0x1, s30, s4, $0xb8;
	[tilespmem:$0x9D80] =	vst v63  }
0x216: {  	s20 =	rddreg [dreg:$0xe]  }
0x217: {  	[tilespmem:s22], [sflag:$0x1] =	stream.indirect.gather [spmem:s9], $0x1, s20, s4, $0xb8;
	[tilespmem:$0x9D80] =	vst v63  }
0x218: {  	s30 =	rddreg [dreg:$0xf]  }
0x219: {  	[tilespmem:s23], [sflag:$0x1] =	stream.indirect.gather [spmem:s9], $0x1, s30, s4, $0xb8;
	[tilespmem:$0x9D80] =	vst v63  }
0x21a: {  	s31 =	rddreg [dreg:$0x10]  }
0x21b: {  	[tilespmem:s24], [sflag:$0x1] =	stream.indirect.gather [spmem:s9], $0x1, s31, s4, $0xb8;
	[tilespmem:$0x9D80] =	vst v63  }
0x21c: {  	s7 =	rddreg [dreg:$0x11]  }
0x21d: {  	[tilespmem:s25], [sflag:$0x1] =	stream.indirect.gather [spmem:s9], $0x1, s7, s4, $0xb8;
	[tilespmem:$0x9D80] =	vst v63  }
0x21e: {  	s14 =	rddreg [dreg:$0x12]  }
0x21f: {  	[tilespmem:s26], [sflag:$0x1] =	stream.indirect.gather [spmem:s9], $0x1, s14, s4, $0xb8;
	[tilespmem:$0x9D80] =	vst v63  }
0x220: {  	s20 =	rddreg [dreg:$0x13]  }
0x221: {  	[tilespmem:s28], [sflag:$0x1] =	stream.indirect.gather [spmem:s9], $0x1, s20, s4, $0xb8;
	[tilespmem:$0x9D80] =	vst v63  }
0x222: {  	s30 =	rddreg [dreg:$0x14]  }
0x223: {  	[tilespmem:s29], [sflag:$0x1] =	stream.indirect.gather [spmem:s9], $0x1, s30, s4, $0xb8;
	[tilespmem:$0x9D80] =	vst v63  }
0x224: {  	s31 =	rddreg [dreg:$0x15]  }
0x225: {  	[tilespmem:s11], [sflag:$0x2] =	stream.indirect.gather [spmem:s9], $0x1, s31, s4, $0xb8;
	[tilespmem:$0x9D80] =	vst v63  }
0x226: {  	s7 =	rddreg [dreg:$0x16]  }
0x227: {  	[tilespmem:s12], [sflag:$0x2] =	stream.indirect.gather [spmem:s9], $0x1, s7, s4, $0xb8;
	[tilespmem:$0x9D80] =	vst v63  }
0x228: {  	s14 =	rddreg [dreg:$0x17]  }
0x229: {  	[tilespmem:s15], [sflag:$0x2] =	stream.indirect.gather [spmem:s9], $0x1, s14, s4, $0xb8;
	[tilespmem:$0x9D80] =	vst v63  }
0x22a: {  	s20 =	rddreg [dreg:$0x18]  }
0x22b: {  	[tilespmem:s19], [sflag:$0x2] =	stream.indirect.gather [spmem:s9], $0x1, s20, s4, $0xb8;
	[tilespmem:$0x9D80] =	vst v63  }
0x22c: {  	s30 =	rddreg [dreg:$0x19]  }
0x22d: {  	[tilespmem:s18], [sflag:$0x2] =	stream.indirect.gather [spmem:s9], $0x1, s30, s4, $0xb8;
	[tilespmem:$0x9D80] =	vst v63  }
0x22e: {  	s31 =	rddreg [dreg:$0x1a]  }
0x22f: {  	[tilespmem:s16], [sflag:$0x2] =	stream.indirect.gather [spmem:s9], $0x1, s31, s4, $0xb8;
	[tilespmem:$0x9D80] =	vst v63  }
0x230: {  	s7 =	rddreg [dreg:$0x1b]  }
0x231: {  	[tilespmem:s13], [sflag:$0x2] =	stream.indirect.gather [spmem:s9], $0x1, s7, s4, $0xb8;
	[tilespmem:$0x9D80] =	vst v63  }
0x232: {  	s14 =	rddreg [dreg:$0x1c];
	s7 =	simm.s32 $0x5A80  }
0x233: {  	[tilespmem:s7], [sflag:$0x2] =	stream.indirect.gather [spmem:s9], $0x1, s14, s4, $0xb8;
	[tilespmem:$0x9D80] =	vst v63  }
0x234: {  	_ =	swait.ge [sflag:s6], $0x80  }
0x235: {  	[sflag:s6] =	ssyncset.done $0x0  }
0x236: {  	[sflag:s6] =	ssyncadd.s32 $0xFFFFFF80  }
0x237: {  	_ =	swait.ge [sflag:s6], $0x80  }
0x238: {  	[sflag:s6] =	ssyncset.done $0x0  }
0x239: {  	[sflag:s6] =	ssyncadd.s32 $0xFFFFFF80  }
0x23a: {  	_ =	swait.ge [sflag:s6], $0x80  }
0x23b: {  	[sflag:s6] =	ssyncset.done $0x0  }
0x23c: {  	[sflag:s6] =	ssyncadd.s32 $0xFFFFFF80  }
0x23d: {  	_ =	swait.ge [sflag:s6], $0x80  }
0x23e: {  	[sflag:s6] =	ssyncset.done $0x0  }
0x23f: {  	[sflag:s6] =	ssyncadd.s32 $0xFFFFFF80  }
0x240: {  	_ =	swait.ge [sflag:s6], $0x80  }
0x241: {  	[sflag:s6] =	ssyncset.done $0x0  }
0x242: {  	[sflag:s6] =	ssyncadd.s32 $0xFFFFFF80  }
0x243: {  	_ =	swait.ge [sflag:s6], $0x80  }
0x244: {  	[sflag:s6] =	ssyncset.done $0x0  }
0x245: {  	[sflag:s6] =	ssyncadd.s32 $0xFFFFFF80  }
0x246: {  	_ =	swait.ge [sflag:s6], $0x80  }
0x247: {  	[sflag:s6] =	ssyncset.done $0x0  }
0x248: {  	[sflag:s6] =	ssyncadd.s32 $0xFFFFFF80  }
0x249: {  	_ =	swait.ge [sflag:s6], $0x80  }
0x24a: {  	[sflag:s6] =	ssyncset.done $0x0  }
0x24b: {  	s20 =	rddreg [dreg:$0x1d];
	[sflag:s6] =	ssyncadd.s32 $0xFFFFFF80  }
0x24c: {  	[spmem:s5] =	stream.indirect.scatter.add.f32 [tilespmem:s21], [sflag:$0x1], $0x1, s17, s4, $0xb8;
	[tilespmem:$0x9D80] =	vst v63  }
0x24d: {  	s30 =	rddreg [dreg:$0x1f]  }
0x24e: {  	[spmem:s5] =	stream.indirect.scatter.add.f32 [tilespmem:s22], [sflag:$0x1], $0x1, s20, s4, $0xb8;
	[tilespmem:$0x9D80] =	vst v63  }
0x24f: {  	s21 =	rddreg [dreg:$0x1e]  }
0x250: {  	[spmem:s5] =	stream.indirect.scatter.add.f32 [tilespmem:s23], [sflag:$0x1], $0x1, s21, s4, $0xb8;
	[tilespmem:$0x9D80] =	vst v63  }
0x251: {  	s31 =	sld [smem:$0x7F0]  }
0x252: {  	[spmem:s5] =	stream.indirect.scatter.add.f32 [tilespmem:s24], [sflag:$0x1], $0x1, s30, s4, $0xb8;
	[tilespmem:$0x9D80] =	vst v63  }
0x253: {  	s9 =	sld [smem:$0x7F1]  }
0x254: {  	[spmem:s5] =	stream.indirect.scatter.add.f32 [tilespmem:s25], [sflag:$0x1], $0x1, s31, s4, $0xb8;
	[tilespmem:$0x9D80] =	vst v63  }
0x255: {  	s14 =	sld [smem:$0x7F2]  }
0x256: {  	[spmem:s5] =	stream.indirect.scatter.add.f32 [tilespmem:s26], [sflag:$0x1], $0x1, s9, s4, $0xb8;
	[tilespmem:$0x9D80] =	vst v63  }
0x257: {  	s17 =	sld [smem:$0x7F3]  }
0x258: {  	[spmem:s5] =	stream.indirect.scatter.add.f32 [tilespmem:s28], [sflag:$0x1], $0x1, s14, s4, $0xb8;
	[tilespmem:$0x9D80] =	vst v63  }
0x259: {  	_ = 	snop  }
0x25a: {  	[spmem:s5] =	stream.indirect.scatter.add.f32 [tilespmem:s29], [sflag:$0x1], $0x1, s17, s4, $0xb8;
	[tilespmem:$0x9D80] =	vst v63  }
0x25b: {  	_ =	swait.ge [sflag:s8], $0x80  }
0x25c: {  	[sflag:s8] =	ssyncset.done $0x0  }
0x25d: {  	[sflag:s8] =	ssyncadd.s32 $0xFFFFFF80  }
0x25e: {  	_ =	swait.ge [sflag:s8], $0x80  }
0x25f: {  	[sflag:s8] =	ssyncset.done $0x0  }
0x260: {  	[sflag:s8] =	ssyncadd.s32 $0xFFFFFF80  }
0x261: {  	_ =	swait.ge [sflag:s8], $0x80  }
0x262: {  	[sflag:s8] =	ssyncset.done $0x0  }
0x263: {  	[sflag:s8] =	ssyncadd.s32 $0xFFFFFF80  }
0x264: {  	_ =	swait.ge [sflag:s8], $0x80  }
0x265: {  	[sflag:s8] =	ssyncset.done $0x0  }
0x266: {  	[sflag:s8] =	ssyncadd.s32 $0xFFFFFF80  }
0x267: {  	_ =	swait.ge [sflag:s8], $0x80  }
0x268: {  	[sflag:s8] =	ssyncset.done $0x0  }
0x269: {  	[sflag:s8] =	ssyncadd.s32 $0xFFFFFF80  }
0x26a: {  	_ =	swait.ge [sflag:s8], $0x80  }
0x26b: {  	[sflag:s8] =	ssyncset.done $0x0  }
0x26c: {  	[sflag:s8] =	ssyncadd.s32 $0xFFFFFF80  }
0x26d: {  	_ =	swait.ge [sflag:s8], $0x80  }
0x26e: {  	[sflag:s8] =	ssyncset.done $0x0  }
0x26f: {  	[sflag:s8] =	ssyncadd.s32 $0xFFFFFF80  }
0x270: {  	_ =	swait.ge [sflag:s8], $0x80  }
0x271: {  	s20 =	sld [smem:$0x7F4]  }
0x272: {  	[sflag:s8] =	ssyncset.done $0x0  }
0x273: {  	s21 =	sld [smem:$0x7F5];
	[sflag:s8] =	ssyncadd.s32 $0xFFFFFF80  }
0x274: {  	[spmem:s5] =	stream.indirect.scatter.add.f32 [tilespmem:s11], [sflag:$0x2], $0x1, s20, s4, $0xb8;
	[tilespmem:$0x9D80] =	vst v63  }
0x275: {  	s22 =	sld [smem:$0x7F6]  }
0x276: {  	[spmem:s5] =	stream.indirect.scatter.add.f32 [tilespmem:s12], [sflag:$0x2], $0x1, s21, s4, $0xb8;
	[tilespmem:$0x9D80] =	vst v63  }
0x277: {  	s23 =	sld [smem:$0x7F7]  }
0x278: {  	[spmem:s5] =	stream.indirect.scatter.add.f32 [tilespmem:s15], [sflag:$0x2], $0x1, s22, s4, $0xb8;
	[tilespmem:$0x9D80] =	vst v63  }
0x279: {  	s24 =	sld [smem:$0x7F8]  }
0x27a: {  	[spmem:s5] =	stream.indirect.scatter.add.f32 [tilespmem:s19], [sflag:$0x2], $0x1, s23, s4, $0xb8;
	[tilespmem:$0x9D80] =	vst v63  }
0x27b: {  	s25 =	sld [smem:$0x7F9]  }
0x27c: {  	[spmem:s5] =	stream.indirect.scatter.add.f32 [tilespmem:s18], [sflag:$0x2], $0x1, s24, s4, $0xb8;
	[tilespmem:$0x9D80] =	vst v63  }
0x27d: {  	s26 =	sld [smem:$0x7FA]  }
0x27e: {  	[spmem:s5] =	stream.indirect.scatter.add.f32 [tilespmem:s16], [sflag:$0x2], $0x1, s25, s4, $0xb8;
	[tilespmem:$0x9D80] =	vst v63  }
0x27f: {  	s28 =	sld [smem:$0x7FB]  }
0x280: {  	[spmem:s5] =	stream.indirect.scatter.add.f32 [tilespmem:s13], [sflag:$0x2], $0x1, s26, s4, $0xb8;
	[tilespmem:$0x9D80] =	vst v63  }
0x281: {  	_ = 	snop  }
0x282: {  	[spmem:s5] =	stream.indirect.scatter.add.f32 [tilespmem:s7], [sflag:$0x2], $0x1, s28, s4, $0xb8;
	[tilespmem:$0x9D80] =	vst v63  }
0x283: {  	_ =	swait.ge [sflag:s6], $0x80  }
0x284: {  	[sflag:s6] =	ssyncset.done $0x0  }
0x285: {  	[sflag:s6] =	ssyncadd.s32 $0xFFFFFF80  }
0x286: {  	_ =	swait.ge [sflag:s6], $0x80  }
0x287: {  	[sflag:s6] =	ssyncset.done $0x0  }
0x288: {  	[sflag:s6] =	ssyncadd.s32 $0xFFFFFF80  }
0x289: {  	_ =	swait.ge [sflag:s6], $0x80  }
0x28a: {  	[sflag:s6] =	ssyncset.done $0x0  }
0x28b: {  	[sflag:s6] =	ssyncadd.s32 $0xFFFFFF80  }
0x28c: {  	_ =	swait.ge [sflag:s6], $0x80  }
0x28d: {  	[sflag:s6] =	ssyncset.done $0x0  }
0x28e: {  	[sflag:s6] =	ssyncadd.s32 $0xFFFFFF80  }
0x28f: {  	_ =	swait.ge [sflag:s6], $0x80  }
0x290: {  	[sflag:s6] =	ssyncset.done $0x0  }
0x291: {  	[sflag:s6] =	ssyncadd.s32 $0xFFFFFF80  }
0x292: {  	_ =	swait.ge [sflag:s6], $0x80  }
0x293: {  	[sflag:s6] =	ssyncset.done $0x0  }
0x294: {  	[sflag:s6] =	ssyncadd.s32 $0xFFFFFF80  }
0x295: {  	_ =	swait.ge [sflag:s6], $0x80  }
0x296: {  	[sflag:s6] =	ssyncset.done $0x0  }
0x297: {  	[sflag:s6] =	ssyncadd.s32 $0xFFFFFF80  }
0x298: {  	_ =	swait.ge [sflag:s6], $0x80  }
0x299: {  	[sflag:s6] =	ssyncset.done $0x0  }
0x29a: {  	[sflag:s6] =	ssyncadd.s32 $0xFFFFFF80  }
0x29b: {  	_ =	swait.ge [sflag:s8], $0x80  }
0x29c: {  	[sflag:s8] =	ssyncset.done $0x0  }
0x29d: {  	[sflag:s8] =	ssyncadd.s32 $0xFFFFFF80  }
0x29e: {  	_ =	swait.ge [sflag:s8], $0x80  }
0x29f: {  	[sflag:s8] =	ssyncset.done $0x0  }
0x2a0: {  	[sflag:s8] =	ssyncadd.s32 $0xFFFFFF80  }
0x2a1: {  	_ =	swait.ge [sflag:s8], $0x80  }
0x2a2: {  	[sflag:s8] =	ssyncset.done $0x0  }
0x2a3: {  	[sflag:s8] =	ssyncadd.s32 $0xFFFFFF80  }
0x2a4: {  	_ =	swait.ge [sflag:s8], $0x80  }
0x2a5: {  	[sflag:s8] =	ssyncset.done $0x0  }
0x2a6: {  	[sflag:s8] =	ssyncadd.s32 $0xFFFFFF80  }
0x2a7: {  	_ =	swait.ge [sflag:s8], $0x80  }
0x2a8: {  	[sflag:s8] =	ssyncset.done $0x0  }
0x2a9: {  	[sflag:s8] =	ssyncadd.s32 $0xFFFFFF80  }
0x2aa: {  	_ =	swait.ge [sflag:s8], $0x80  }
0x2ab: {  	[sflag:s8] =	ssyncset.done $0x0  }
0x2ac: {  	[sflag:s8] =	ssyncadd.s32 $0xFFFFFF80  }
0x2ad: {  	_ =	swait.ge [sflag:s8], $0x80  }
0x2ae: {  	[sflag:s8] =	ssyncset.done $0x0  }
0x2af: {  	[sflag:s8] =	ssyncadd.s32 $0xFFFFFF80  }
0x2b0: {  	_ =	swait.ge [sflag:s8], $0x80  }
0x2b1: {  	[sflag:s8] =	ssyncset.done $0x0  }
0x2b2: {  	[sflag:s8] =	ssyncadd.s32 $0xFFFFFF80  }
0x2b3: {  	[bflag:$0x0] =	sbarrier.arrive $0xFFFF  }
0x2b4: {  	[tilespmem:s10], [sflag:$0x3] =	stream.linear.gather [spmem:s2], $0x1000, $0x38;
	[tilespmem:$0x9D80] =	vst v63  }
0x2b5: {  	_ =	swait.ge [sflag:s3], $0x1000  }
0x2b6: {  	s29 =	sld [smem:$0x7FC]  }
0x2b7: {  	s30 =	sld [smem:$0x7FD]  }
0x2b8: {  	[sflag:s3] =	ssyncset.done $0x0  }
0x2b9: {  	[sflag:s3] =	ssyncadd.s32 $0xFFFFF000  }
0x2ba: {  	[hbm4b:s29+s4] =	stream.strided.scatter [tilespmem:s10], [sflag:$0x3], $0x1000, s30, s4, $0x38;
	[tilespmem:$0x9D80] =	vst v63  }
0x2bb: {  	_ =	swait.ge [sflag:s3], $0x1000  }
0x2bc: {  	[sflag:s3] =	ssyncset.done $0x0  }
0x2bd: {  	[sflag:s3] =	ssyncadd.s32 $0xFFFFF000  }
0x2be: {  	_ =	sfence.sel $0x180000  }
0x2bf: {  	[bflag:$0x0] =	sbarrier.arrive $0xFFFF  }
0x2c0: {  	_ =	strace $0x90000047  }
0x2c1: {  	s31 =	stileid.u32;
	[bflag:$0x2] =	sbarrier.arrive $0xFFFF  }
0x2c2: {  	p0 =	sne.s32 s31, $0x0;
	s0 =	rddreg [dreg:$0x6]  }
0x2c3: {  	s0 =	sadd.s32 @!p0 $0x100000, s0  }
0x2c4: {  	[sflag:s0] =	ssyncadd.tile.s32 @!p0 $0x1;
	_ =	shalt  }
.LBB2_6:
0x2c5: {  	s11 =	simm.s32 $0x5700;
	s12 =	simm.s32 $0x5780  }
.Ltmp3:
0x2c6: {  	s13 =	simm.s32 $0x5A00;
	s15 =	simm.s32 $0x5800;
	(pc) =	sbr.rel .LBB2_5-.Ltmp3, $4  }
0x2c7: {  	s16 =	simm.s32 $0x5980;
	s17 =	simm.s32 $0x4B00;
	s18 =	simm.s32 $0x5900  }
0x2c8: {  	s19 =	simm.s32 $0x5880;
	s21 =	simm.s32 $0x5300;
	s22 =	simm.s32 $0x5380  }
0x2c9: {  	s23 =	simm.s32 $0x5400;
	s24 =	simm.s32 $0x5480;
	s25 =	simm.s32 $0x5500  }
0x2ca: {  	s26 =	simm.s32 $0x5580;
	s28 =	simm.s32 $0x5600;
	s29 =	simm.s32 $0x5680  }
.Lfunc_end2:
_tile_overlayer_lowered:
.L_overlay_start_2:
0x2cb: {  	(tag) =	ssettag $0x2  }
0x2cc: {  	s0 =	rddreg [dreg:$0x0];
	s2 =	stileid.u32  }
0x2cd: {  	s1 =	rddreg [dreg:$0x1];
	p0 =	sne.s32 s2, $0x0  }
0x2ce: {  	s3 =	rddreg [dreg:$0x2];
	[bflag:$0x3] =	sbarrier.arrive $0xFFFF;
	s2 =	simm.s32 @!p0 $0x1C03  }
0x2cf: {  	[timem:s3], [sflag:s2] =	dma.local @!p0 [hbm:s0], s1  }
0x2d0: {  	s0 =	simm.s32 @!p0 $0x3  }
0x2d1: {  	_ =	swait.ge @!p0 [sflag:s0], s1  }
0x2d2: {  	s1 =	ssub.s32 @!p0 $0x0, s1;
	[sflag:s0] =	ssyncset.done @!p0 $0x0  }
0x2d3: {  	[sflag:s0] =	ssyncadd.s32 @!p0 s1  }
0x2d4: {  	[bflag:$0x3] =	sbarrier.arrive $0xFFFF  }
0x2d5: {  	_ =	shalt  }

</sc_bundles>
